<compile_context>
chip_gen: v7x
topology: tpu7x:2x2x1
jax: 0.10.2.dev20260603
libtpu: 0.0.44.dev20260713+nightly
codegen_flags: <defaults>
</compile_context>

<pallas_src>
import functools

import jax
import jax.numpy as jnp
from jax import lax
from jax.experimental import pallas as pl
from jax.experimental.pallas import tpu as pltpu
from jax.experimental.pallas import tpu_sc as plsc

ROWS = 16384
COLS = 100
NC = 2
NS = 16
NW = NC * NS
CPW = ROWS // NW
L = 16
NCHUNK = 4
CW = CPW // NCHUNK
NB = 4


def _body(yt_hbm, out_hbm, buf, insem, outsem):
    wid = lax.axis_index("s") * NC + lax.axis_index("c")
    base = wid * CPW

    def in_copy(i):
        slot = lax.rem(i, NB)
        return pltpu.make_async_copy(
            yt_hbm.at[:, pl.ds(base + i * CW, CW)],
            buf.at[:, pl.ds(slot * CW, CW)], insem)

    def out_copy(i):
        slot = lax.rem(i, NB)
        return pltpu.make_async_copy(
            buf.at[:, pl.ds(slot * CW, CW)],
            out_hbm.at[:, pl.ds(base + i * CW, CW)], outsem)

    in_copy(0).start()
    in_copy(1).start()

    def chunk(i, _):
        in_copy(i).wait()
        slot_base = lax.rem(i, NB) * CW

        @plsc.parallel_loop(0, CW // L, unroll=4)
        def group(g):
            col = slot_base + g * L
            acc = [None, None, None, None]
            v95 = None
            for c in range(COLS):
                v = buf[c, pl.ds(col, L)]
                if c == 95:
                    v95 = v
                k = c % 4
                if acc[k] is None:
                    acc[k] = v if c < 40 else -v
                elif c < 40:
                    acc[k] = acc[k] + v
                else:
                    acc[k] = acc[k] - v
            diff = (acc[0] + acc[1]) + (acc[2] + acc[3])
            buf[95, pl.ds(col, L)] = v95 - diff

        out_copy(i).start()

        @pl.when(i + 2 < NCHUNK)
        def _start_next():
            in_copy(i + 2).start()

        return _

    lax.fori_loop(0, NCHUNK, chunk, None)
    for i in range(NCHUNK):
        out_copy(i).wait()


@jax.jit
def kernel(y):
    mesh = plsc.VectorSubcoreMesh(core_axis_name="c", subcore_axis_name="s")
    f = functools.partial(
        pl.kernel,
        mesh=mesh,
        out_type=jax.ShapeDtypeStruct((COLS, ROWS), jnp.float32),
        scratch_types=[pltpu.VMEM((COLS, NB * CW), jnp.float32),
                       pltpu.SemaphoreType.DMA, pltpu.SemaphoreType.DMA],
        compiler_params=pltpu.CompilerParams(use_tc_tiling_on_sc=True),
    )(_body)
    return f(y.T).T

# --- scband reference (transcript-rebuilt; emitter-appended) ---
"""Pipeline reference for scband-enforce-balance-20005957665134 (READ-ONLY COPY).

The authoritative reference and input builder live on the scoring server;
editing this copy changes nothing except your own understanding.
"""

import jax, jax.numpy as jnp
import numpy as np

ASSET_IDX = jnp.arange(0, 40)
LIAB_IDX = jnp.arange(40, 70)
EQUITY_IDX = jnp.arange(70, 100)
SLACK_IDX = 95


def setup_inputs(seed: int = 0) -> dict:
    key = jax.random.key(seed)
    y = jax.random.normal(key, (16384, 100), dtype=jnp.float32)
    return {"y": y}


def reference(y):
    assets = jnp.sum(jnp.take(y, ASSET_IDX, axis=-1), axis=-1, keepdims=True)
    liabilities = jnp.sum(jnp.take(y, LIAB_IDX, axis=-1), axis=-1, keepdims=True)
    equity = jnp.sum(jnp.take(y, EQUITY_IDX, axis=-1), axis=-1, keepdims=True)
    diff = assets - (liabilities + equity)
    batch_size = y.shape[0]
    correction = jnp.zeros_like(y)
    rows = jnp.arange(batch_size, dtype=jnp.int32)
    # tensor_scatter_nd_sub on zeros -> correction = -diff at (row, slack_idx)
    correction = correction.at[rows, SLACK_IDX].add(-jnp.squeeze(diff, axis=-1))
    return y + correction

if __name__ == "__main__":
    import jax
    _d = setup_inputs()
    print(jax.jit(kernel)(*tuple(_d.values())))

</pallas_src>

<mosaic_0001>
#map = affine_map<(d0, d1) -> (0, 0)>
module attributes {stable_mosaic.version = 14 : i64} {
  func.func @_body(%arg0: i32, %arg1: i32, %arg2: memref<100x16384xf32, #tpu.memory_space<hbm>>, %arg3: memref<100x16384xf32, #tpu.memory_space<hbm>>, %arg4: memref<100x512xf32, #tpu.memory_space<vmem>>, %arg5: memref<!tpu.dma_semaphore, #tpu.memory_space<semaphore_mem>>, %arg6: memref<!tpu.dma_semaphore, #tpu.memory_space<semaphore_mem>>) attributes {dimension_semantics = [#tpu.dimension_semantics<core_parallel>, #tpu.dimension_semantics<subcore_parallel>], iteration_bounds = array<i64: 2, 16>, scalar_prefetch = 0 : i64, scratch_operands = 3 : i64, tpu.core_type = #tpu.core_type<sc_vector_subcore>, window_params = [{transform_indices = #map}, {transform_indices = #map}]} {
    %mul3A = arith.constant 2 : i32
    %mul3A_0 = arith.muli %arg1, %mul3A : i32
    %add3A = arith.addi %mul3A_0, %arg0 : i32
    %mul3A_1 = arith.constant 512 : i32
    %mul3A_2 = arith.muli %add3A, %mul3A_1 : i32
    %rem3A = arith.constant 0 : i32
    %rem3A_3 = arith.constant 4 : i32
    %rem3A_4 = arith.remsi %rem3A, %rem3A_3 : i32
    %add3A_5 = arith.constant 0 : i32
    %add3A_6 = arith.addi %mul3A_2, %add3A_5 : i32
    %mul3A_7 = arith.constant 128 : i32
    %mul3A_8 = arith.muli %rem3A_4, %mul3A_7 : i32
    %dma_start3A = arith.constant 0 : i32
    %dma_start3A_9 = tpu.memref_slice %arg4[%dma_start3A, %mul3A_8] : memref<100x512xf32, #tpu.memory_space<vmem>> -> memref<100x128xf32, #tpu.memory_space<vmem>>
    %dma_start3A_10 = arith.constant 0 : i32
    %dma_start3A_11 = tpu.memref_slice %arg2[%dma_start3A_10, %add3A_6] : memref<100x16384xf32, #tpu.memory_space<hbm>> -> memref<100x128xf32, #tpu.memory_space<hbm>>
    %dma_start3A_12 = arith.constant 0 : i32
    %dma_start3A_13 = tpu.memref_slice %arg4[%dma_start3A_12, %mul3A_8] : memref<100x512xf32, #tpu.memory_space<vmem>> -> memref<100x128xf32, #tpu.memory_space<vmem>>
    %dma_start3A_14 = arith.constant 0 : i32
    %dma_start3A_15 = tpu.memref_slice %arg2[%dma_start3A_14, %add3A_6] : memref<100x16384xf32, #tpu.memory_space<hbm>> -> memref<100x128xf32, #tpu.memory_space<hbm>>
    tpu.enqueue_dma source(%dma_start3A_15 : memref<100x128xf32, #tpu.memory_space<hbm>>) target(%dma_start3A_13 : memref<100x128xf32, #tpu.memory_space<vmem>>) target_semaphore(%arg5 : memref<!tpu.dma_semaphore, #tpu.memory_space<semaphore_mem>>)
    %rem3A_16 = arith.constant 1 : i32
    %rem3A_17 = arith.constant 4 : i32
    %rem3A_18 = arith.remsi %rem3A_16, %rem3A_17 : i32
    %add3A_19 = arith.constant 128 : i32
    %add3A_20 = arith.addi %mul3A_2, %add3A_19 : i32
    %mul3A_21 = arith.constant 128 : i32
    %mul3A_22 = arith.muli %rem3A_18, %mul3A_21 : i32
    %dma_start3A_23 = arith.constant 0 : i32
    %dma_start3A_24 = tpu.memref_slice %arg4[%dma_start3A_23, %mul3A_22] : memref<100x512xf32, #tpu.memory_space<vmem>> -> memref<100x128xf32, #tpu.memory_space<vmem>>
    %dma_start3A_25 = arith.constant 0 : i32
    %dma_start3A_26 = tpu.memref_slice %arg2[%dma_start3A_25, %add3A_20] : memref<100x16384xf32, #tpu.memory_space<hbm>> -> memref<100x128xf32, #tpu.memory_space<hbm>>
    %dma_start3A_27 = arith.constant 0 : i32
    %dma_start3A_28 = tpu.memref_slice %arg4[%dma_start3A_27, %mul3A_22] : memref<100x512xf32, #tpu.memory_space<vmem>> -> memref<100x128xf32, #tpu.memory_space<vmem>>
    %dma_start3A_29 = arith.constant 0 : i32
    %dma_start3A_30 = tpu.memref_slice %arg2[%dma_start3A_29, %add3A_20] : memref<100x16384xf32, #tpu.memory_space<hbm>> -> memref<100x128xf32, #tpu.memory_space<hbm>>
    tpu.enqueue_dma source(%dma_start3A_30 : memref<100x128xf32, #tpu.memory_space<hbm>>) target(%dma_start3A_28 : memref<100x128xf32, #tpu.memory_space<vmem>>) target_semaphore(%arg5 : memref<!tpu.dma_semaphore, #tpu.memory_space<semaphore_mem>>)
    %scan3A = arith.constant 0 : i32
    %scan3A_31 = arith.constant 4 : i32
    %scan3A_32 = arith.addi %scan3A, %scan3A_31 : i32
    %scan3A_33 = arith.constant 1 : i32
    scf.for %scan3A_94 = %scan3A to %scan3A_32 step %scan3A_33  : i32 {
      %rem3A_95 = arith.constant 4 : i32
      %rem3A_96 = arith.remsi %scan3A_94, %rem3A_95 : i32
      %mul3A_97 = arith.constant 128 : i32
      %mul3A_98 = arith.muli %scan3A_94, %mul3A_97 : i32
      %add3A_99 = arith.addi %mul3A_2, %mul3A_98 : i32
      %mul3A_100 = arith.constant 128 : i32
      %mul3A_101 = arith.muli %rem3A_96, %mul3A_100 : i32
      %dma_wait3A_102 = arith.constant 0 : i32
      %dma_wait3A_103 = tpu.memref_slice %arg4[%dma_wait3A_102, %mul3A_101] : memref<100x512xf32, #tpu.memory_space<vmem>> -> memref<100x128xf32, #tpu.memory_space<vmem>>
      %dma_wait3A_104 = arith.constant 0 : i32
      %dma_wait3A_105 = tpu.memref_slice %arg2[%dma_wait3A_104, %add3A_99] : memref<100x16384xf32, #tpu.memory_space<hbm>> -> memref<100x128xf32, #tpu.memory_space<hbm>>
      %dma_wait3A_106 = arith.constant 0 : i32
      %dma_wait3A_107 = tpu.memref_slice %arg4[%dma_wait3A_106, %mul3A_101] : memref<100x512xf32, #tpu.memory_space<vmem>> -> memref<100x128xf32, #tpu.memory_space<vmem>>
      %dma_wait3A_108 = arith.constant 0 : i32
      %dma_wait3A_109 = tpu.memref_slice %arg2[%dma_wait3A_108, %add3A_99] : memref<100x16384xf32, #tpu.memory_space<hbm>> -> memref<100x128xf32, #tpu.memory_space<hbm>>
      tpu.wait_dma2 semaphore(%arg5 : memref<!tpu.dma_semaphore, #tpu.memory_space<semaphore_mem>>) src(%dma_wait3A_109 : memref<100x128xf32, #tpu.memory_space<hbm>>) dst(%dma_wait3A_107 : memref<100x128xf32, #tpu.memory_space<vmem>>)
      %rem3A_110 = arith.constant 4 : i32
      %rem3A_111 = arith.remsi %scan3A_94, %rem3A_110 : i32
      %mul3A_112 = arith.constant 128 : i32
      %mul3A_113 = arith.muli %rem3A_111, %mul3A_112 : i32
      %parallel_loop3A = arith.constant 0 : i32
      %parallel_loop3A_114 = arith.constant 8 : i32
      %parallel_loop3A_115 = arith.constant 1 : i32
      scf.for %parallel_loop3A_135 = %parallel_loop3A to %parallel_loop3A_114 step %parallel_loop3A_115  : i32 {
        %parallel_loop3A_136 = arith.constant 16 : i32
        %parallel_loop3A_137 = arith.muli %parallel_loop3A_135, %parallel_loop3A_136 : i32
        %parallel_loop3A_138 = arith.addi %mul3A_113, %parallel_loop3A_137 : i32
        %parallel_loop3A_139 = arith.constant 0 : i32
        %parallel_loop3A_140 = arith.index_cast %parallel_loop3A_139 : i32 to index
        %parallel_loop3A_141 = arith.index_cast %parallel_loop3A_138 : i32 to index
        %parallel_loop3A_142 = tpu.vector_load %arg4[%parallel_loop3A_140, %parallel_loop3A_141] {strides = array<i32>} : memref<100x512xf32, #tpu.memory_space<vmem>>, vector<1x16xf32>,
        %parallel_loop3A_143 = vector.shape_cast %parallel_loop3A_142 : vector<1x16xf32> to vector<16xf32>
        %parallel_loop3A_144 = arith.constant 1 : i32
        %parallel_loop3A_145 = arith.index_cast %parallel_loop3A_144 : i32 to index
        %parallel_loop3A_146 = arith.index_cast %parallel_loop3A_138 : i32 to index
        %parallel_loop3A_147 = tpu.vector_load %arg4[%parallel_loop3A_145, %parallel_loop3A_146] {strides = array<i32>} : memref<100x512xf32, #tpu.memory_space<vmem>>, vector<1x16xf32>,
        %parallel_loop3A_148 = vector.shape_cast %parallel_loop3A_147 : vector<1x16xf32> to vector<16xf32>
        %parallel_loop3A_149 = arith.constant 2 : i32
        %parallel_loop3A_150 = arith.index_cast %parallel_loop3A_149 : i32 to index
        %parallel_loop3A_151 = arith.index_cast %parallel_loop3A_138 : i32 to index
        %parallel_loop3A_152 = tpu.vector_load %arg4[%parallel_loop3A_150, %parallel_loop3A_151] {strides = array<i32>} : memref<100x512xf32, #tpu.memory_space<vmem>>, vector<1x16xf32>,
        %parallel_loop3A_153 = vector.shape_cast %parallel_loop3A_152 : vector<1x16xf32> to vector<16xf32>
        %parallel_loop3A_154 = arith.constant 3 : i32
        %parallel_loop3A_155 = arith.index_cast %parallel_loop3A_154 : i32 to index
        %parallel_loop3A_156 = arith.index_cast %parallel_loop3A_138 : i32 to index
        %parallel_loop3A_157 = tpu.vector_load %arg4[%parallel_loop3A_155, %parallel_loop3A_156] {strides = array<i32>} : memref<100x512xf32, #tpu.memory_space<vmem>>, vector<1x16xf32>,
        %parallel_loop3A_158 = vector.shape_cast %parallel_loop3A_157 : vector<1x16xf32> to vector<16xf32>
        %parallel_loop3A_159 = arith.constant 4 : i32
        %parallel_loop3A_160 = arith.index_cast %parallel_loop3A_159 : i32 to index
        %parallel_loop3A_161 = arith.index_cast %parallel_loop3A_138 : i32 to index
        %parallel_loop3A_162 = tpu.vector_load %arg4[%parallel_loop3A_160, %parallel_loop3A_161] {strides = array<i32>} : memref<100x512xf32, #tpu.memory_space<vmem>>, vector<1x16xf32>,
        %parallel_loop3A_163 = vector.shape_cast %parallel_loop3A_162 : vector<1x16xf32> to vector<16xf32>
        %parallel_loop3A_164 = arith.addf %parallel_loop3A_143, %parallel_loop3A_163 : vector<16xf32>
        %parallel_loop3A_165 = arith.constant 5 : i32
        %parallel_loop3A_166 = arith.index_cast %parallel_loop3A_165 : i32 to index
        %parallel_loop3A_167 = arith.index_cast %parallel_loop3A_138 : i32 to index
        %parallel_loop3A_168 = tpu.vector_load %arg4[%parallel_loop3A_166, %parallel_loop3A_167] {strides = array<i32>} : memref<100x512xf32, #tpu.memory_space<vmem>>, vector<1x16xf32>,
        %parallel_loop3A_169 = vector.shape_cast %parallel_loop3A_168 : vector<1x16xf32> to vector<16xf32>
        %parallel_loop3A_170 = arith.addf %parallel_loop3A_148, %parallel_loop3A_169 : vector<16xf32>
        %parallel_loop3A_171 = arith.constant 6 : i32
        %parallel_loop3A_172 = arith.index_cast %parallel_loop3A_171 : i32 to index
        %parallel_loop3A_173 = arith.index_cast %parallel_loop3A_138 : i32 to index
        %parallel_loop3A_174 = tpu.vector_load %arg4[%parallel_loop3A_172, %parallel_loop3A_173] {strides = array<i32>} : memref<100x512xf32, #tpu.memory_space<vmem>>, vector<1x16xf32>,
        %parallel_loop3A_175 = vector.shape_cast %parallel_loop3A_174 : vector<1x16xf32> to vector<16xf32>
        %parallel_loop3A_176 = arith.addf %parallel_loop3A_153, %parallel_loop3A_175 : vector<16xf32>
        %parallel_loop3A_177 = arith.constant 7 : i32
        %parallel_loop3A_178 = arith.index_cast %parallel_loop3A_177 : i32 to index
        %parallel_loop3A_179 = arith.index_cast %parallel_loop3A_138 : i32 to index
        %parallel_loop3A_180 = tpu.vector_load %arg4[%parallel_loop3A_178, %parallel_loop3A_179] {strides = array<i32>} : memref<100x512xf32, #tpu.memory_space<vmem>>, vector<1x16xf32>,
        %parallel_loop3A_181 = vector.shape_cast %parallel_loop3A_180 : vector<1x16xf32> to vector<16xf32>
        %parallel_loop3A_182 = arith.addf %parallel_loop3A_158, %parallel_loop3A_181 : vector<16xf32>
        %parallel_loop3A_183 = arith.constant 8 : i32
        %parallel_loop3A_184 = arith.index_cast %parallel_loop3A_183 : i32 to index
        %parallel_loop3A_185 = arith.index_cast %parallel_loop3A_138 : i32 to index
        %parallel_loop3A_186 = tpu.vector_load %arg4[%parallel_loop3A_184, %parallel_loop3A_185] {strides = array<i32>} : memref<100x512xf32, #tpu.memory_space<vmem>>, vector<1x16xf32>,
        %parallel_loop3A_187 = vector.shape_cast %parallel_loop3A_186 : vector<1x16xf32> to vector<16xf32>
        %parallel_loop3A_188 = arith.addf %parallel_loop3A_164, %parallel_loop3A_187 : vector<16xf32>
        %parallel_loop3A_189 = arith.constant 9 : i32
        %parallel_loop3A_190 = arith.index_cast %parallel_loop3A_189 : i32 to index
        %parallel_loop3A_191 = arith.index_cast %parallel_loop3A_138 : i32 to index
        %parallel_loop3A_192 = tpu.vector_load %arg4[%parallel_loop3A_190, %parallel_loop3A_191] {strides = array<i32>} : memref<100x512xf32, #tpu.memory_space<vmem>>, vector<1x16xf32>,
        %parallel_loop3A_193 = vector.shape_cast %parallel_loop3A_192 : vector<1x16xf32> to vector<16xf32>
        %parallel_loop3A_194 = arith.addf %parallel_loop3A_170, %parallel_loop3A_193 : vector<16xf32>
        %parallel_loop3A_195 = arith.constant 10 : i32
        %parallel_loop3A_196 = arith.index_cast %parallel_loop3A_195 : i32 to index
        %parallel_loop3A_197 = arith.index_cast %parallel_loop3A_138 : i32 to index
        %parallel_loop3A_198 = tpu.vector_load %arg4[%parallel_loop3A_196, %parallel_loop3A_197] {strides = array<i32>} : memref<100x512xf32, #tpu.memory_space<vmem>>, vector<1x16xf32>,
        %parallel_loop3A_199 = vector.shape_cast %parallel_loop3A_198 : vector<1x16xf32> to vector<16xf32>
        %parallel_loop3A_200 = arith.addf %parallel_loop3A_176, %parallel_loop3A_199 : vector<16xf32>
        %parallel_loop3A_201 = arith.constant 11 : i32
        %parallel_loop3A_202 = arith.index_cast %parallel_loop3A_201 : i32 to index
        %parallel_loop3A_203 = arith.index_cast %parallel_loop3A_138 : i32 to index
        %parallel_loop3A_204 = tpu.vector_load %arg4[%parallel_loop3A_202, %parallel_loop3A_203] {strides = array<i32>} : memref<100x512xf32, #tpu.memory_space<vmem>>, vector<1x16xf32>,
        %parallel_loop3A_205 = vector.shape_cast %parallel_loop3A_204 : vector<1x16xf32> to vector<16xf32>
        %parallel_loop3A_206 = arith.addf %parallel_loop3A_182, %parallel_loop3A_205 : vector<16xf32>
        %parallel_loop3A_207 = arith.constant 12 : i32
        %parallel_loop3A_208 = arith.index_cast %parallel_loop3A_207 : i32 to index
        %parallel_loop3A_209 = arith.index_cast %parallel_loop3A_138 : i32 to index
        %parallel_loop3A_210 = tpu.vector_load %arg4[%parallel_loop3A_208, %parallel_loop3A_209] {strides = array<i32>} : memref<100x512xf32, #tpu.memory_space<vmem>>, vector<1x16xf32>,
        %parallel_loop3A_211 = vector.shape_cast %parallel_loop3A_210 : vector<1x16xf32> to vector<16xf32>
        %parallel_loop3A_212 = arith.addf %parallel_loop3A_188, %parallel_loop3A_211 : vector<16xf32>
        %parallel_loop3A_213 = arith.constant 13 : i32
        %parallel_loop3A_214 = arith.index_cast %parallel_loop3A_213 : i32 to index
        %parallel_loop3A_215 = arith.index_cast %parallel_loop3A_138 : i32 to index
        %parallel_loop3A_216 = tpu.vector_load %arg4[%parallel_loop3A_214, %parallel_loop3A_215] {strides = array<i32>} : memref<100x512xf32, #tpu.memory_space<vmem>>, vector<1x16xf32>,
        %parallel_loop3A_217 = vector.shape_cast %parallel_loop3A_216 : vector<1x16xf32> to vector<16xf32>
        %parallel_loop3A_218 = arith.addf %parallel_loop3A_194, %parallel_loop3A_217 : vector<16xf32>
        %parallel_loop3A_219 = arith.constant 14 : i32
        %parallel_loop3A_220 = arith.index_cast %parallel_loop3A_219 : i32 to index
        %parallel_loop3A_221 = arith.index_cast %parallel_loop3A_138 : i32 to index
        %parallel_loop3A_222 = tpu.vector_load %arg4[%parallel_loop3A_220, %parallel_loop3A_221] {strides = array<i32>} : memref<100x512xf32, #tpu.memory_space<vmem>>, vector<1x16xf32>,
        %parallel_loop3A_223 = vector.shape_cast %parallel_loop3A_222 : vector<1x16xf32> to vector<16xf32>
        %parallel_loop3A_224 = arith.addf %parallel_loop3A_200, %parallel_loop3A_223 : vector<16xf32>
        %parallel_loop3A_225 = arith.constant 15 : i32
        %parallel_loop3A_226 = arith.index_cast %parallel_loop3A_225 : i32 to index
        %parallel_loop3A_227 = arith.index_cast %parallel_loop3A_138 : i32 to index
        %parallel_loop3A_228 = tpu.vector_load %arg4[%parallel_loop3A_226, %parallel_loop3A_227] {strides = array<i32>} : memref<100x512xf32, #tpu.memory_space<vmem>>, vector<1x16xf32>,
        %parallel_loop3A_229 = vector.shape_cast %parallel_loop3A_228 : vector<1x16xf32> to vector<16xf32>
        %parallel_loop3A_230 = arith.addf %parallel_loop3A_206, %parallel_loop3A_229 : vector<16xf32>
        %parallel_loop3A_231 = arith.constant 16 : i32
        %parallel_loop3A_232 = arith.index_cast %parallel_loop3A_231 : i32 to index
        %parallel_loop3A_233 = arith.index_cast %parallel_loop3A_138 : i32 to index
        %parallel_loop3A_234 = tpu.vector_load %arg4[%parallel_loop3A_232, %parallel_loop3A_233] {strides = array<i32>} : memref<100x512xf32, #tpu.memory_space<vmem>>, vector<1x16xf32>,
        %parallel_loop3A_235 = vector.shape_cast %parallel_loop3A_234 : vector<1x16xf32> to vector<16xf32>
        %parallel_loop3A_236 = arith.addf %parallel_loop3A_212, %parallel_loop3A_235 : vector<16xf32>
        %parallel_loop3A_237 = arith.constant 17 : i32
        %parallel_loop3A_238 = arith.index_cast %parallel_loop3A_237 : i32 to index
        %parallel_loop3A_239 = arith.index_cast %parallel_loop3A_138 : i32 to index
        %parallel_loop3A_240 = tpu.vector_load %arg4[%parallel_loop3A_238, %parallel_loop3A_239] {strides = array<i32>} : memref<100x512xf32, #tpu.memory_space<vmem>>, vector<1x16xf32>,
        %parallel_loop3A_241 = vector.shape_cast %parallel_loop3A_240 : vector<1x16xf32> to vector<16xf32>
        %parallel_loop3A_242 = arith.addf %parallel_loop3A_218, %parallel_loop3A_241 : vector<16xf32>
        %parallel_loop3A_243 = arith.constant 18 : i32
        %parallel_loop3A_244 = arith.index_cast %parallel_loop3A_243 : i32 to index
        %parallel_loop3A_245 = arith.index_cast %parallel_loop3A_138 : i32 to index
        %parallel_loop3A_246 = tpu.vector_load %arg4[%parallel_loop3A_244, %parallel_loop3A_245] {strides = array<i32>} : memref<100x512xf32, #tpu.memory_space<vmem>>, vector<1x16xf32>,
        %parallel_loop3A_247 = vector.shape_cast %parallel_loop3A_246 : vector<1x16xf32> to vector<16xf32>
        %parallel_loop3A_248 = arith.addf %parallel_loop3A_224, %parallel_loop3A_247 : vector<16xf32>
        %parallel_loop3A_249 = arith.constant 19 : i32
        %parallel_loop3A_250 = arith.index_cast %parallel_loop3A_249 : i32 to index
        %parallel_loop3A_251 = arith.index_cast %parallel_loop3A_138 : i32 to index
        %parallel_loop3A_252 = tpu.vector_load %arg4[%parallel_loop3A_250, %parallel_loop3A_251] {strides = array<i32>} : memref<100x512xf32, #tpu.memory_space<vmem>>, vector<1x16xf32>,
        %parallel_loop3A_253 = vector.shape_cast %parallel_loop3A_252 : vector<1x16xf32> to vector<16xf32>
        %parallel_loop3A_254 = arith.addf %parallel_loop3A_230, %parallel_loop3A_253 : vector<16xf32>
        %parallel_loop3A_255 = arith.constant 20 : i32
        %parallel_loop3A_256 = arith.index_cast %parallel_loop3A_255 : i32 to index
        %parallel_loop3A_257 = arith.index_cast %parallel_loop3A_138 : i32 to index
        %parallel_loop3A_258 = tpu.vector_load %arg4[%parallel_loop3A_256, %parallel_loop3A_257] {strides = array<i32>} : memref<100x512xf32, #tpu.memory_space<vmem>>, vector<1x16xf32>,
        %parallel_loop3A_259 = vector.shape_cast %parallel_loop3A_258 : vector<1x16xf32> to vector<16xf32>
        %parallel_loop3A_260 = arith.addf %parallel_loop3A_236, %parallel_loop3A_259 : vector<16xf32>
        %parallel_loop3A_261 = arith.constant 21 : i32
        %parallel_loop3A_262 = arith.index_cast %parallel_loop3A_261 : i32 to index
        %parallel_loop3A_263 = arith.index_cast %parallel_loop3A_138 : i32 to index
        %parallel_loop3A_264 = tpu.vector_load %arg4[%parallel_loop3A_262, %parallel_loop3A_263] {strides = array<i32>} : memref<100x512xf32, #tpu.memory_space<vmem>>, vector<1x16xf32>,
        %parallel_loop3A_265 = vector.shape_cast %parallel_loop3A_264 : vector<1x16xf32> to vector<16xf32>
        %parallel_loop3A_266 = arith.addf %parallel_loop3A_242, %parallel_loop3A_265 : vector<16xf32>
        %parallel_loop3A_267 = arith.constant 22 : i32
        %parallel_loop3A_268 = arith.index_cast %parallel_loop3A_267 : i32 to index
        %parallel_loop3A_269 = arith.index_cast %parallel_loop3A_138 : i32 to index
        %parallel_loop3A_270 = tpu.vector_load %arg4[%parallel_loop3A_268, %parallel_loop3A_269] {strides = array<i32>} : memref<100x512xf32, #tpu.memory_space<vmem>>, vector<1x16xf32>,
        %parallel_loop3A_271 = vector.shape_cast %parallel_loop3A_270 : vector<1x16xf32> to vector<16xf32>
        %parallel_loop3A_272 = arith.addf %parallel_loop3A_248, %parallel_loop3A_271 : vector<16xf32>
        %parallel_loop3A_273 = arith.constant 23 : i32
        %parallel_loop3A_274 = arith.index_cast %parallel_loop3A_273 : i32 to index
        %parallel_loop3A_275 = arith.index_cast %parallel_loop3A_138 : i32 to index
        %parallel_loop3A_276 = tpu.vector_load %arg4[%parallel_loop3A_274, %parallel_loop3A_275] {strides = array<i32>} : memref<100x512xf32, #tpu.memory_space<vmem>>, vector<1x16xf32>,
        %parallel_loop3A_277 = vector.shape_cast %parallel_loop3A_276 : vector<1x16xf32> to vector<16xf32>
        %parallel_loop3A_278 = arith.addf %parallel_loop3A_254, %parallel_loop3A_277 : vector<16xf32>
        %parallel_loop3A_279 = arith.constant 24 : i32
        %parallel_loop3A_280 = arith.index_cast %parallel_loop3A_279 : i32 to index
        %parallel_loop3A_281 = arith.index_cast %parallel_loop3A_138 : i32 to index
        %parallel_loop3A_282 = tpu.vector_load %arg4[%parallel_loop3A_280, %parallel_loop3A_281] {strides = array<i32>} : memref<100x512xf32, #tpu.memory_space<vmem>>, vector<1x16xf32>,
        %parallel_loop3A_283 = vector.shape_cast %parallel_loop3A_282 : vector<1x16xf32> to vector<16xf32>
        %parallel_loop3A_284 = arith.addf %parallel_loop3A_260, %parallel_loop3A_283 : vector<16xf32>
        %parallel_loop3A_285 = arith.constant 25 : i32
        %parallel_loop3A_286 = arith.index_cast %parallel_loop3A_285 : i32 to index
        %parallel_loop3A_287 = arith.index_cast %parallel_loop3A_138 : i32 to index
        %parallel_loop3A_288 = tpu.vector_load %arg4[%parallel_loop3A_286, %parallel_loop3A_287] {strides = array<i32>} : memref<100x512xf32, #tpu.memory_space<vmem>>, vector<1x16xf32>,
        %parallel_loop3A_289 = vector.shape_cast %parallel_loop3A_288 : vector<1x16xf32> to vector<16xf32>
        %parallel_loop3A_290 = arith.addf %parallel_loop3A_266, %parallel_loop3A_289 : vector<16xf32>
        %parallel_loop3A_291 = arith.constant 26 : i32
        %parallel_loop3A_292 = arith.index_cast %parallel_loop3A_291 : i32 to index
        %parallel_loop3A_293 = arith.index_cast %parallel_loop3A_138 : i32 to index
        %parallel_loop3A_294 = tpu.vector_load %arg4[%parallel_loop3A_292, %parallel_loop3A_293] {strides = array<i32>} : memref<100x512xf32, #tpu.memory_space<vmem>>, vector<1x16xf32>,
        %parallel_loop3A_295 = vector.shape_cast %parallel_loop3A_294 : vector<1x16xf32> to vector<16xf32>
        %parallel_loop3A_296 = arith.addf %parallel_loop3A_272, %parallel_loop3A_295 : vector<16xf32>
        %parallel_loop3A_297 = arith.constant 27 : i32
        %parallel_loop3A_298 = arith.index_cast %parallel_loop3A_297 : i32 to index
        %parallel_loop3A_299 = arith.index_cast %parallel_loop3A_138 : i32 to index
        %parallel_loop3A_300 = tpu.vector_load %arg4[%parallel_loop3A_298, %parallel_loop3A_299] {strides = array<i32>} : memref<100x512xf32, #tpu.memory_space<vmem>>, vector<1x16xf32>,
        %parallel_loop3A_301 = vector.shape_cast %parallel_loop3A_300 : vector<1x16xf32> to vector<16xf32>
        %parallel_loop3A_302 = arith.addf %parallel_loop3A_278, %parallel_loop3A_301 : vector<16xf32>
        %parallel_loop3A_303 = arith.constant 28 : i32
        %parallel_loop3A_304 = arith.index_cast %parallel_loop3A_303 : i32 to index
        %parallel_loop3A_305 = arith.index_cast %parallel_loop3A_138 : i32 to index
        %parallel_loop3A_306 = tpu.vector_load %arg4[%parallel_loop3A_304, %parallel_loop3A_305] {strides = array<i32>} : memref<100x512xf32, #tpu.memory_space<vmem>>, vector<1x16xf32>,
        %parallel_loop3A_307 = vector.shape_cast %parallel_loop3A_306 : vector<1x16xf32> to vector<16xf32>
        %parallel_loop3A_308 = arith.addf %parallel_loop3A_284, %parallel_loop3A_307 : vector<16xf32>
        %parallel_loop3A_309 = arith.constant 29 : i32
        %parallel_loop3A_310 = arith.index_cast %parallel_loop3A_309 : i32 to index
        %parallel_loop3A_311 = arith.index_cast %parallel_loop3A_138 : i32 to index
        %parallel_loop3A_312 = tpu.vector_load %arg4[%parallel_loop3A_310, %parallel_loop3A_311] {strides = array<i32>} : memref<100x512xf32, #tpu.memory_space<vmem>>, vector<1x16xf32>,
        %parallel_loop3A_313 = vector.shape_cast %parallel_loop3A_312 : vector<1x16xf32> to vector<16xf32>
        %parallel_loop3A_314 = arith.addf %parallel_loop3A_290, %parallel_loop3A_313 : vector<16xf32>
        %parallel_loop3A_315 = arith.constant 30 : i32
        %parallel_loop3A_316 = arith.index_cast %parallel_loop3A_315 : i32 to index
        %parallel_loop3A_317 = arith.index_cast %parallel_loop3A_138 : i32 to index
        %parallel_loop3A_318 = tpu.vector_load %arg4[%parallel_loop3A_316, %parallel_loop3A_317] {strides = array<i32>} : memref<100x512xf32, #tpu.memory_space<vmem>>, vector<1x16xf32>,
        %parallel_loop3A_319 = vector.shape_cast %parallel_loop3A_318 : vector<1x16xf32> to vector<16xf32>
        %parallel_loop3A_320 = arith.addf %parallel_loop3A_296, %parallel_loop3A_319 : vector<16xf32>
        %parallel_loop3A_321 = arith.constant 31 : i32
        %parallel_loop3A_322 = arith.index_cast %parallel_loop3A_321 : i32 to index
        %parallel_loop3A_323 = arith.index_cast %parallel_loop3A_138 : i32 to index
        %parallel_loop3A_324 = tpu.vector_load %arg4[%parallel_loop3A_322, %parallel_loop3A_323] {strides = array<i32>} : memref<100x512xf32, #tpu.memory_space<vmem>>, vector<1x16xf32>,
        %parallel_loop3A_325 = vector.shape_cast %parallel_loop3A_324 : vector<1x16xf32> to vector<16xf32>
        %parallel_loop3A_326 = arith.addf %parallel_loop3A_302, %parallel_loop3A_325 : vector<16xf32>
        %parallel_loop3A_327 = arith.constant 32 : i32
        %parallel_loop3A_328 = arith.index_cast %parallel_loop3A_327 : i32 to index
        %parallel_loop3A_329 = arith.index_cast %parallel_loop3A_138 : i32 to index
        %parallel_loop3A_330 = tpu.vector_load %arg4[%parallel_loop3A_328, %parallel_loop3A_329] {strides = array<i32>} : memref<100x512xf32, #tpu.memory_space<vmem>>, vector<1x16xf32>,
        %parallel_loop3A_331 = vector.shape_cast %parallel_loop3A_330 : vector<1x16xf32> to vector<16xf32>
        %parallel_loop3A_332 = arith.addf %parallel_loop3A_308, %parallel_loop3A_331 : vector<16xf32>
        %parallel_loop3A_333 = arith.constant 33 : i32
        %parallel_loop3A_334 = arith.index_cast %parallel_loop3A_333 : i32 to index
        %parallel_loop3A_335 = arith.index_cast %parallel_loop3A_138 : i32 to index
        %parallel_loop3A_336 = tpu.vector_load %arg4[%parallel_loop3A_334, %parallel_loop3A_335] {strides = array<i32>} : memref<100x512xf32, #tpu.memory_space<vmem>>, vector<1x16xf32>,
        %parallel_loop3A_337 = vector.shape_cast %parallel_loop3A_336 : vector<1x16xf32> to vector<16xf32>
        %parallel_loop3A_338 = arith.addf %parallel_loop3A_314, %parallel_loop3A_337 : vector<16xf32>
        %parallel_loop3A_339 = arith.constant 34 : i32
        %parallel_loop3A_340 = arith.index_cast %parallel_loop3A_339 : i32 to index
        %parallel_loop3A_341 = arith.index_cast %parallel_loop3A_138 : i32 to index
        %parallel_loop3A_342 = tpu.vector_load %arg4[%parallel_loop3A_340, %parallel_loop3A_341] {strides = array<i32>} : memref<100x512xf32, #tpu.memory_space<vmem>>, vector<1x16xf32>,
        %parallel_loop3A_343 = vector.shape_cast %parallel_loop3A_342 : vector<1x16xf32> to vector<16xf32>
        %parallel_loop3A_344 = arith.addf %parallel_loop3A_320, %parallel_loop3A_343 : vector<16xf32>
        %parallel_loop3A_345 = arith.constant 35 : i32
        %parallel_loop3A_346 = arith.index_cast %parallel_loop3A_345 : i32 to index
        %parallel_loop3A_347 = arith.index_cast %parallel_loop3A_138 : i32 to index
        %parallel_loop3A_348 = tpu.vector_load %arg4[%parallel_loop3A_346, %parallel_loop3A_347] {strides = array<i32>} : memref<100x512xf32, #tpu.memory_space<vmem>>, vector<1x16xf32>,
        %parallel_loop3A_349 = vector.shape_cast %parallel_loop3A_348 : vector<1x16xf32> to vector<16xf32>
        %parallel_loop3A_350 = arith.addf %parallel_loop3A_326, %parallel_loop3A_349 : vector<16xf32>
        %parallel_loop3A_351 = arith.constant 36 : i32
        %parallel_loop3A_352 = arith.index_cast %parallel_loop3A_351 : i32 to index
        %parallel_loop3A_353 = arith.index_cast %parallel_loop3A_138 : i32 to index
        %parallel_loop3A_354 = tpu.vector_load %arg4[%parallel_loop3A_352, %parallel_loop3A_353] {strides = array<i32>} : memref<100x512xf32, #tpu.memory_space<vmem>>, vector<1x16xf32>,
        %parallel_loop3A_355 = vector.shape_cast %parallel_loop3A_354 : vector<1x16xf32> to vector<16xf32>
        %parallel_loop3A_356 = arith.addf %parallel_loop3A_332, %parallel_loop3A_355 : vector<16xf32>
        %parallel_loop3A_357 = arith.constant 37 : i32
        %parallel_loop3A_358 = arith.index_cast %parallel_loop3A_357 : i32 to index
        %parallel_loop3A_359 = arith.index_cast %parallel_loop3A_138 : i32 to index
        %parallel_loop3A_360 = tpu.vector_load %arg4[%parallel_loop3A_358, %parallel_loop3A_359] {strides = array<i32>} : memref<100x512xf32, #tpu.memory_space<vmem>>, vector<1x16xf32>,
        %parallel_loop3A_361 = vector.shape_cast %parallel_loop3A_360 : vector<1x16xf32> to vector<16xf32>
        %parallel_loop3A_362 = arith.addf %parallel_loop3A_338, %parallel_loop3A_361 : vector<16xf32>
        %parallel_loop3A_363 = arith.constant 38 : i32
        %parallel_loop3A_364 = arith.index_cast %parallel_loop3A_363 : i32 to index
        %parallel_loop3A_365 = arith.index_cast %parallel_loop3A_138 : i32 to index
        %parallel_loop3A_366 = tpu.vector_load %arg4[%parallel_loop3A_364, %parallel_loop3A_365] {strides = array<i32>} : memref<100x512xf32, #tpu.memory_space<vmem>>, vector<1x16xf32>,
        %parallel_loop3A_367 = vector.shape_cast %parallel_loop3A_366 : vector<1x16xf32> to vector<16xf32>
        %parallel_loop3A_368 = arith.addf %parallel_loop3A_344, %parallel_loop3A_367 : vector<16xf32>
        %parallel_loop3A_369 = arith.constant 39 : i32
        %parallel_loop3A_370 = arith.index_cast %parallel_loop3A_369 : i32 to index
        %parallel_loop3A_371 = arith.index_cast %parallel_loop3A_138 : i32 to index
        %parallel_loop3A_372 = tpu.vector_load %arg4[%parallel_loop3A_370, %parallel_loop3A_371] {strides = array<i32>} : memref<100x512xf32, #tpu.memory_space<vmem>>, vector<1x16xf32>,
        %parallel_loop3A_373 = vector.shape_cast %parallel_loop3A_372 : vector<1x16xf32> to vector<16xf32>
        %parallel_loop3A_374 = arith.addf %parallel_loop3A_350, %parallel_loop3A_373 : vector<16xf32>
        %parallel_loop3A_375 = arith.constant 40 : i32
        %parallel_loop3A_376 = arith.index_cast %parallel_loop3A_375 : i32 to index
        %parallel_loop3A_377 = arith.index_cast %parallel_loop3A_138 : i32 to index
        %parallel_loop3A_378 = tpu.vector_load %arg4[%parallel_loop3A_376, %parallel_loop3A_377] {strides = array<i32>} : memref<100x512xf32, #tpu.memory_space<vmem>>, vector<1x16xf32>,
        %parallel_loop3A_379 = vector.shape_cast %parallel_loop3A_378 : vector<1x16xf32> to vector<16xf32>
        %parallel_loop3A_380 = arith.subf %parallel_loop3A_356, %parallel_loop3A_379 : vector<16xf32>
        %parallel_loop3A_381 = arith.constant 41 : i32
        %parallel_loop3A_382 = arith.index_cast %parallel_loop3A_381 : i32 to index
        %parallel_loop3A_383 = arith.index_cast %parallel_loop3A_138 : i32 to index
        %parallel_loop3A_384 = tpu.vector_load %arg4[%parallel_loop3A_382, %parallel_loop3A_383] {strides = array<i32>} : memref<100x512xf32, #tpu.memory_space<vmem>>, vector<1x16xf32>,
        %parallel_loop3A_385 = vector.shape_cast %parallel_loop3A_384 : vector<1x16xf32> to vector<16xf32>
        %parallel_loop3A_386 = arith.subf %parallel_loop3A_362, %parallel_loop3A_385 : vector<16xf32>
        %parallel_loop3A_387 = arith.constant 42 : i32
        %parallel_loop3A_388 = arith.index_cast %parallel_loop3A_387 : i32 to index
        %parallel_loop3A_389 = arith.index_cast %parallel_loop3A_138 : i32 to index
        %parallel_loop3A_390 = tpu.vector_load %arg4[%parallel_loop3A_388, %parallel_loop3A_389] {strides = array<i32>} : memref<100x512xf32, #tpu.memory_space<vmem>>, vector<1x16xf32>,
        %parallel_loop3A_391 = vector.shape_cast %parallel_loop3A_390 : vector<1x16xf32> to vector<16xf32>
        %parallel_loop3A_392 = arith.subf %parallel_loop3A_368, %parallel_loop3A_391 : vector<16xf32>
        %parallel_loop3A_393 = arith.constant 43 : i32
        %parallel_loop3A_394 = arith.index_cast %parallel_loop3A_393 : i32 to index
        %parallel_loop3A_395 = arith.index_cast %parallel_loop3A_138 : i32 to index
        %parallel_loop3A_396 = tpu.vector_load %arg4[%parallel_loop3A_394, %parallel_loop3A_395] {strides = array<i32>} : memref<100x512xf32, #tpu.memory_space<vmem>>, vector<1x16xf32>,
        %parallel_loop3A_397 = vector.shape_cast %parallel_loop3A_396 : vector<1x16xf32> to vector<16xf32>
        %parallel_loop3A_398 = arith.subf %parallel_loop3A_374, %parallel_loop3A_397 : vector<16xf32>
        %parallel_loop3A_399 = arith.constant 44 : i32
        %parallel_loop3A_400 = arith.index_cast %parallel_loop3A_399 : i32 to index
        %parallel_loop3A_401 = arith.index_cast %parallel_loop3A_138 : i32 to index
        %parallel_loop3A_402 = tpu.vector_load %arg4[%parallel_loop3A_400, %parallel_loop3A_401] {strides = array<i32>} : memref<100x512xf32, #tpu.memory_space<vmem>>, vector<1x16xf32>,
        %parallel_loop3A_403 = vector.shape_cast %parallel_loop3A_402 : vector<1x16xf32> to vector<16xf32>
        %parallel_loop3A_404 = arith.subf %parallel_loop3A_380, %parallel_loop3A_403 : vector<16xf32>
        %parallel_loop3A_405 = arith.constant 45 : i32
        %parallel_loop3A_406 = arith.index_cast %parallel_loop3A_405 : i32 to index
        %parallel_loop3A_407 = arith.index_cast %parallel_loop3A_138 : i32 to index
        %parallel_loop3A_408 = tpu.vector_load %arg4[%parallel_loop3A_406, %parallel_loop3A_407] {strides = array<i32>} : memref<100x512xf32, #tpu.memory_space<vmem>>, vector<1x16xf32>,
        %parallel_loop3A_409 = vector.shape_cast %parallel_loop3A_408 : vector<1x16xf32> to vector<16xf32>
        %parallel_loop3A_410 = arith.subf %parallel_loop3A_386, %parallel_loop3A_409 : vector<16xf32>
        %parallel_loop3A_411 = arith.constant 46 : i32
        %parallel_loop3A_412 = arith.index_cast %parallel_loop3A_411 : i32 to index
        %parallel_loop3A_413 = arith.index_cast %parallel_loop3A_138 : i32 to index
        %parallel_loop3A_414 = tpu.vector_load %arg4[%parallel_loop3A_412, %parallel_loop3A_413] {strides = array<i32>} : memref<100x512xf32, #tpu.memory_space<vmem>>, vector<1x16xf32>,
        %parallel_loop3A_415 = vector.shape_cast %parallel_loop3A_414 : vector<1x16xf32> to vector<16xf32>
        %parallel_loop3A_416 = arith.subf %parallel_loop3A_392, %parallel_loop3A_415 : vector<16xf32>
        %parallel_loop3A_417 = arith.constant 47 : i32
        %parallel_loop3A_418 = arith.index_cast %parallel_loop3A_417 : i32 to index
        %parallel_loop3A_419 = arith.index_cast %parallel_loop3A_138 : i32 to index
        %parallel_loop3A_420 = tpu.vector_load %arg4[%parallel_loop3A_418, %parallel_loop3A_419] {strides = array<i32>} : memref<100x512xf32, #tpu.memory_space<vmem>>, vector<1x16xf32>,
        %parallel_loop3A_421 = vector.shape_cast %parallel_loop3A_420 : vector<1x16xf32> to vector<16xf32>
        %parallel_loop3A_422 = arith.subf %parallel_loop3A_398, %parallel_loop3A_421 : vector<16xf32>
        %parallel_loop3A_423 = arith.constant 48 : i32
        %parallel_loop3A_424 = arith.index_cast %parallel_loop3A_423 : i32 to index
        %parallel_loop3A_425 = arith.index_cast %parallel_loop3A_138 : i32 to index
        %parallel_loop3A_426 = tpu.vector_load %arg4[%parallel_loop3A_424, %parallel_loop3A_425] {strides = array<i32>} : memref<100x512xf32, #tpu.memory_space<vmem>>, vector<1x16xf32>,
        %parallel_loop3A_427 = vector.shape_cast %parallel_loop3A_426 : vector<1x16xf32> to vector<16xf32>
        %parallel_loop3A_428 = arith.subf %parallel_loop3A_404, %parallel_loop3A_427 : vector<16xf32>
        %parallel_loop3A_429 = arith.constant 49 : i32
        %parallel_loop3A_430 = arith.index_cast %parallel_loop3A_429 : i32 to index
        %parallel_loop3A_431 = arith.index_cast %parallel_loop3A_138 : i32 to index
        %parallel_loop3A_432 = tpu.vector_load %arg4[%parallel_loop3A_430, %parallel_loop3A_431] {strides = array<i32>} : memref<100x512xf32, #tpu.memory_space<vmem>>, vector<1x16xf32>,
        %parallel_loop3A_433 = vector.shape_cast %parallel_loop3A_432 : vector<1x16xf32> to vector<16xf32>
        %parallel_loop3A_434 = arith.subf %parallel_loop3A_410, %parallel_loop3A_433 : vector<16xf32>
        %parallel_loop3A_435 = arith.constant 50 : i32
        %parallel_loop3A_436 = arith.index_cast %parallel_loop3A_435 : i32 to index
        %parallel_loop3A_437 = arith.index_cast %parallel_loop3A_138 : i32 to index
        %parallel_loop3A_438 = tpu.vector_load %arg4[%parallel_loop3A_436, %parallel_loop3A_437] {strides = array<i32>} : memref<100x512xf32, #tpu.memory_space<vmem>>, vector<1x16xf32>,
        %parallel_loop3A_439 = vector.shape_cast %parallel_loop3A_438 : vector<1x16xf32> to vector<16xf32>
        %parallel_loop3A_440 = arith.subf %parallel_loop3A_416, %parallel_loop3A_439 : vector<16xf32>
        %parallel_loop3A_441 = arith.constant 51 : i32
        %parallel_loop3A_442 = arith.index_cast %parallel_loop3A_441 : i32 to index
        %parallel_loop3A_443 = arith.index_cast %parallel_loop3A_138 : i32 to index
        %parallel_loop3A_444 = tpu.vector_load %arg4[%parallel_loop3A_442, %parallel_loop3A_443] {strides = array<i32>} : memref<100x512xf32, #tpu.memory_space<vmem>>, vector<1x16xf32>,
        %parallel_loop3A_445 = vector.shape_cast %parallel_loop3A_444 : vector<1x16xf32> to vector<16xf32>
        %parallel_loop3A_446 = arith.subf %parallel_loop3A_422, %parallel_loop3A_445 : vector<16xf32>
        %parallel_loop3A_447 = arith.constant 52 : i32
        %parallel_loop3A_448 = arith.index_cast %parallel_loop3A_447 : i32 to index
        %parallel_loop3A_449 = arith.index_cast %parallel_loop3A_138 : i32 to index
        %parallel_loop3A_450 = tpu.vector_load %arg4[%parallel_loop3A_448, %parallel_loop3A_449] {strides = array<i32>} : memref<100x512xf32, #tpu.memory_space<vmem>>, vector<1x16xf32>,
        %parallel_loop3A_451 = vector.shape_cast %parallel_loop3A_450 : vector<1x16xf32> to vector<16xf32>
        %parallel_loop3A_452 = arith.subf %parallel_loop3A_428, %parallel_loop3A_451 : vector<16xf32>
        %parallel_loop3A_453 = arith.constant 53 : i32
        %parallel_loop3A_454 = arith.index_cast %parallel_loop3A_453 : i32 to index
        %parallel_loop3A_455 = arith.index_cast %parallel_loop3A_138 : i32 to index
        %parallel_loop3A_456 = tpu.vector_load %arg4[%parallel_loop3A_454, %parallel_loop3A_455] {strides = array<i32>} : memref<100x512xf32, #tpu.memory_space<vmem>>, vector<1x16xf32>,
        %parallel_loop3A_457 = vector.shape_cast %parallel_loop3A_456 : vector<1x16xf32> to vector<16xf32>
        %parallel_loop3A_458 = arith.subf %parallel_loop3A_434, %parallel_loop3A_457 : vector<16xf32>
        %parallel_loop3A_459 = arith.constant 54 : i32
        %parallel_loop3A_460 = arith.index_cast %parallel_loop3A_459 : i32 to index
        %parallel_loop3A_461 = arith.index_cast %parallel_loop3A_138 : i32 to index
        %parallel_loop3A_462 = tpu.vector_load %arg4[%parallel_loop3A_460, %parallel_loop3A_461] {strides = array<i32>} : memref<100x512xf32, #tpu.memory_space<vmem>>, vector<1x16xf32>,
        %parallel_loop3A_463 = vector.shape_cast %parallel_loop3A_462 : vector<1x16xf32> to vector<16xf32>
        %parallel_loop3A_464 = arith.subf %parallel_loop3A_440, %parallel_loop3A_463 : vector<16xf32>
        %parallel_loop3A_465 = arith.constant 55 : i32
        %parallel_loop3A_466 = arith.index_cast %parallel_loop3A_465 : i32 to index
        %parallel_loop3A_467 = arith.index_cast %parallel_loop3A_138 : i32 to index
        %parallel_loop3A_468 = tpu.vector_load %arg4[%parallel_loop3A_466, %parallel_loop3A_467] {strides = array<i32>} : memref<100x512xf32, #tpu.memory_space<vmem>>, vector<1x16xf32>,
        %parallel_loop3A_469 = vector.shape_cast %parallel_loop3A_468 : vector<1x16xf32> to vector<16xf32>
        %parallel_loop3A_470 = arith.subf %parallel_loop3A_446, %parallel_loop3A_469 : vector<16xf32>
        %parallel_loop3A_471 = arith.constant 56 : i32
        %parallel_loop3A_472 = arith.index_cast %parallel_loop3A_471 : i32 to index
        %parallel_loop3A_473 = arith.index_cast %parallel_loop3A_138 : i32 to index
        %parallel_loop3A_474 = tpu.vector_load %arg4[%parallel_loop3A_472, %parallel_loop3A_473] {strides = array<i32>} : memref<100x512xf32, #tpu.memory_space<vmem>>, vector<1x16xf32>,
        %parallel_loop3A_475 = vector.shape_cast %parallel_loop3A_474 : vector<1x16xf32> to vector<16xf32>
        %parallel_loop3A_476 = arith.subf %parallel_loop3A_452, %parallel_loop3A_475 : vector<16xf32>
        %parallel_loop3A_477 = arith.constant 57 : i32
        %parallel_loop3A_478 = arith.index_cast %parallel_loop3A_477 : i32 to index
        %parallel_loop3A_479 = arith.index_cast %parallel_loop3A_138 : i32 to index
        %parallel_loop3A_480 = tpu.vector_load %arg4[%parallel_loop3A_478, %parallel_loop3A_479] {strides = array<i32>} : memref<100x512xf32, #tpu.memory_space<vmem>>, vector<1x16xf32>,
        %parallel_loop3A_481 = vector.shape_cast %parallel_loop3A_480 : vector<1x16xf32> to vector<16xf32>
        %parallel_loop3A_482 = arith.subf %parallel_loop3A_458, %parallel_loop3A_481 : vector<16xf32>
        %parallel_loop3A_483 = arith.constant 58 : i32
        %parallel_loop3A_484 = arith.index_cast %parallel_loop3A_483 : i32 to index
        %parallel_loop3A_485 = arith.index_cast %parallel_loop3A_138 : i32 to index
        %parallel_loop3A_486 = tpu.vector_load %arg4[%parallel_loop3A_484, %parallel_loop3A_485] {strides = array<i32>} : memref<100x512xf32, #tpu.memory_space<vmem>>, vector<1x16xf32>,
        %parallel_loop3A_487 = vector.shape_cast %parallel_loop3A_486 : vector<1x16xf32> to vector<16xf32>
        %parallel_loop3A_488 = arith.subf %parallel_loop3A_464, %parallel_loop3A_487 : vector<16xf32>
        %parallel_loop3A_489 = arith.constant 59 : i32
        %parallel_loop3A_490 = arith.index_cast %parallel_loop3A_489 : i32 to index
        %parallel_loop3A_491 = arith.index_cast %parallel_loop3A_138 : i32 to index
        %parallel_loop3A_492 = tpu.vector_load %arg4[%parallel_loop3A_490, %parallel_loop3A_491] {strides = array<i32>} : memref<100x512xf32, #tpu.memory_space<vmem>>, vector<1x16xf32>,
        %parallel_loop3A_493 = vector.shape_cast %parallel_loop3A_492 : vector<1x16xf32> to vector<16xf32>
        %parallel_loop3A_494 = arith.subf %parallel_loop3A_470, %parallel_loop3A_493 : vector<16xf32>
        %parallel_loop3A_495 = arith.constant 60 : i32
        %parallel_loop3A_496 = arith.index_cast %parallel_loop3A_495 : i32 to index
        %parallel_loop3A_497 = arith.index_cast %parallel_loop3A_138 : i32 to index
        %parallel_loop3A_498 = tpu.vector_load %arg4[%parallel_loop3A_496, %parallel_loop3A_497] {strides = array<i32>} : memref<100x512xf32, #tpu.memory_space<vmem>>, vector<1x16xf32>,
        %parallel_loop3A_499 = vector.shape_cast %parallel_loop3A_498 : vector<1x16xf32> to vector<16xf32>
        %parallel_loop3A_500 = arith.subf %parallel_loop3A_476, %parallel_loop3A_499 : vector<16xf32>
        %parallel_loop3A_501 = arith.constant 61 : i32
        %parallel_loop3A_502 = arith.index_cast %parallel_loop3A_501 : i32 to index
        %parallel_loop3A_503 = arith.index_cast %parallel_loop3A_138 : i32 to index
        %parallel_loop3A_504 = tpu.vector_load %arg4[%parallel_loop3A_502, %parallel_loop3A_503] {strides = array<i32>} : memref<100x512xf32, #tpu.memory_space<vmem>>, vector<1x16xf32>,
        %parallel_loop3A_505 = vector.shape_cast %parallel_loop3A_504 : vector<1x16xf32> to vector<16xf32>
        %parallel_loop3A_506 = arith.subf %parallel_loop3A_482, %parallel_loop3A_505 : vector<16xf32>
        %parallel_loop3A_507 = arith.constant 62 : i32
        %parallel_loop3A_508 = arith.index_cast %parallel_loop3A_507 : i32 to index
        %parallel_loop3A_509 = arith.index_cast %parallel_loop3A_138 : i32 to index
        %parallel_loop3A_510 = tpu.vector_load %arg4[%parallel_loop3A_508, %parallel_loop3A_509] {strides = array<i32>} : memref<100x512xf32, #tpu.memory_space<vmem>>, vector<1x16xf32>,
        %parallel_loop3A_511 = vector.shape_cast %parallel_loop3A_510 : vector<1x16xf32> to vector<16xf32>
        %parallel_loop3A_512 = arith.subf %parallel_loop3A_488, %parallel_loop3A_511 : vector<16xf32>
        %parallel_loop3A_513 = arith.constant 63 : i32
        %parallel_loop3A_514 = arith.index_cast %parallel_loop3A_513 : i32 to index
        %parallel_loop3A_515 = arith.index_cast %parallel_loop3A_138 : i32 to index
        %parallel_loop3A_516 = tpu.vector_load %arg4[%parallel_loop3A_514, %parallel_loop3A_515] {strides = array<i32>} : memref<100x512xf32, #tpu.memory_space<vmem>>, vector<1x16xf32>,
        %parallel_loop3A_517 = vector.shape_cast %parallel_loop3A_516 : vector<1x16xf32> to vector<16xf32>
        %parallel_loop3A_518 = arith.subf %parallel_loop3A_494, %parallel_loop3A_517 : vector<16xf32>
        %parallel_loop3A_519 = arith.constant 64 : i32
        %parallel_loop3A_520 = arith.index_cast %parallel_loop3A_519 : i32 to index
        %parallel_loop3A_521 = arith.index_cast %parallel_loop3A_138 : i32 to index
        %parallel_loop3A_522 = tpu.vector_load %arg4[%parallel_loop3A_520, %parallel_loop3A_521] {strides = array<i32>} : memref<100x512xf32, #tpu.memory_space<vmem>>, vector<1x16xf32>,
        %parallel_loop3A_523 = vector.shape_cast %parallel_loop3A_522 : vector<1x16xf32> to vector<16xf32>
        %parallel_loop3A_524 = arith.subf %parallel_loop3A_500, %parallel_loop3A_523 : vector<16xf32>
        %parallel_loop3A_525 = arith.constant 65 : i32
        %parallel_loop3A_526 = arith.index_cast %parallel_loop3A_525 : i32 to index
        %parallel_loop3A_527 = arith.index_cast %parallel_loop3A_138 : i32 to index
        %parallel_loop3A_528 = tpu.vector_load %arg4[%parallel_loop3A_526, %parallel_loop3A_527] {strides = array<i32>} : memref<100x512xf32, #tpu.memory_space<vmem>>, vector<1x16xf32>,
        %parallel_loop3A_529 = vector.shape_cast %parallel_loop3A_528 : vector<1x16xf32> to vector<16xf32>
        %parallel_loop3A_530 = arith.subf %parallel_loop3A_506, %parallel_loop3A_529 : vector<16xf32>
        %parallel_loop3A_531 = arith.constant 66 : i32
        %parallel_loop3A_532 = arith.index_cast %parallel_loop3A_531 : i32 to index
        %parallel_loop3A_533 = arith.index_cast %parallel_loop3A_138 : i32 to index
        %parallel_loop3A_534 = tpu.vector_load %arg4[%parallel_loop3A_532, %parallel_loop3A_533] {strides = array<i32>} : memref<100x512xf32, #tpu.memory_space<vmem>>, vector<1x16xf32>,
        %parallel_loop3A_535 = vector.shape_cast %parallel_loop3A_534 : vector<1x16xf32> to vector<16xf32>
        %parallel_loop3A_536 = arith.subf %parallel_loop3A_512, %parallel_loop3A_535 : vector<16xf32>
        %parallel_loop3A_537 = arith.constant 67 : i32
        %parallel_loop3A_538 = arith.index_cast %parallel_loop3A_537 : i32 to index
        %parallel_loop3A_539 = arith.index_cast %parallel_loop3A_138 : i32 to index
        %parallel_loop3A_540 = tpu.vector_load %arg4[%parallel_loop3A_538, %parallel_loop3A_539] {strides = array<i32>} : memref<100x512xf32, #tpu.memory_space<vmem>>, vector<1x16xf32>,
        %parallel_loop3A_541 = vector.shape_cast %parallel_loop3A_540 : vector<1x16xf32> to vector<16xf32>
        %parallel_loop3A_542 = arith.subf %parallel_loop3A_518, %parallel_loop3A_541 : vector<16xf32>
        %parallel_loop3A_543 = arith.constant 68 : i32
        %parallel_loop3A_544 = arith.index_cast %parallel_loop3A_543 : i32 to index
        %parallel_loop3A_545 = arith.index_cast %parallel_loop3A_138 : i32 to index
        %parallel_loop3A_546 = tpu.vector_load %arg4[%parallel_loop3A_544, %parallel_loop3A_545] {strides = array<i32>} : memref<100x512xf32, #tpu.memory_space<vmem>>, vector<1x16xf32>,
        %parallel_loop3A_547 = vector.shape_cast %parallel_loop3A_546 : vector<1x16xf32> to vector<16xf32>
        %parallel_loop3A_548 = arith.subf %parallel_loop3A_524, %parallel_loop3A_547 : vector<16xf32>
        %parallel_loop3A_549 = arith.constant 69 : i32
        %parallel_loop3A_550 = arith.index_cast %parallel_loop3A_549 : i32 to index
        %parallel_loop3A_551 = arith.index_cast %parallel_loop3A_138 : i32 to index
        %parallel_loop3A_552 = tpu.vector_load %arg4[%parallel_loop3A_550, %parallel_loop3A_551] {strides = array<i32>} : memref<100x512xf32, #tpu.memory_space<vmem>>, vector<1x16xf32>,
        %parallel_loop3A_553 = vector.shape_cast %parallel_loop3A_552 : vector<1x16xf32> to vector<16xf32>
        %parallel_loop3A_554 = arith.subf %parallel_loop3A_530, %parallel_loop3A_553 : vector<16xf32>
        %parallel_loop3A_555 = arith.constant 70 : i32
        %parallel_loop3A_556 = arith.index_cast %parallel_loop3A_555 : i32 to index
        %parallel_loop3A_557 = arith.index_cast %parallel_loop3A_138 : i32 to index
        %parallel_loop3A_558 = tpu.vector_load %arg4[%parallel_loop3A_556, %parallel_loop3A_557] {strides = array<i32>} : memref<100x512xf32, #tpu.memory_space<vmem>>, vector<1x16xf32>,
        %parallel_loop3A_559 = vector.shape_cast %parallel_loop3A_558 : vector<1x16xf32> to vector<16xf32>
        %parallel_loop3A_560 = arith.subf %parallel_loop3A_536, %parallel_loop3A_559 : vector<16xf32>
        %parallel_loop3A_561 = arith.constant 71 : i32
        %parallel_loop3A_562 = arith.index_cast %parallel_loop3A_561 : i32 to index
        %parallel_loop3A_563 = arith.index_cast %parallel_loop3A_138 : i32 to index
        %parallel_loop3A_564 = tpu.vector_load %arg4[%parallel_loop3A_562, %parallel_loop3A_563] {strides = array<i32>} : memref<100x512xf32, #tpu.memory_space<vmem>>, vector<1x16xf32>,
        %parallel_loop3A_565 = vector.shape_cast %parallel_loop3A_564 : vector<1x16xf32> to vector<16xf32>
        %parallel_loop3A_566 = arith.subf %parallel_loop3A_542, %parallel_loop3A_565 : vector<16xf32>
        %parallel_loop3A_567 = arith.constant 72 : i32
        %parallel_loop3A_568 = arith.index_cast %parallel_loop3A_567 : i32 to index
        %parallel_loop3A_569 = arith.index_cast %parallel_loop3A_138 : i32 to index
        %parallel_loop3A_570 = tpu.vector_load %arg4[%parallel_loop3A_568, %parallel_loop3A_569] {strides = array<i32>} : memref<100x512xf32, #tpu.memory_space<vmem>>, vector<1x16xf32>,
        %parallel_loop3A_571 = vector.shape_cast %parallel_loop3A_570 : vector<1x16xf32> to vector<16xf32>
        %parallel_loop3A_572 = arith.subf %parallel_loop3A_548, %parallel_loop3A_571 : vector<16xf32>
        %parallel_loop3A_573 = arith.constant 73 : i32
        %parallel_loop3A_574 = arith.index_cast %parallel_loop3A_573 : i32 to index
        %parallel_loop3A_575 = arith.index_cast %parallel_loop3A_138 : i32 to index
        %parallel_loop3A_576 = tpu.vector_load %arg4[%parallel_loop3A_574, %parallel_loop3A_575] {strides = array<i32>} : memref<100x512xf32, #tpu.memory_space<vmem>>, vector<1x16xf32>,
        %parallel_loop3A_577 = vector.shape_cast %parallel_loop3A_576 : vector<1x16xf32> to vector<16xf32>
        %parallel_loop3A_578 = arith.subf %parallel_loop3A_554, %parallel_loop3A_577 : vector<16xf32>
        %parallel_loop3A_579 = arith.constant 74 : i32
        %parallel_loop3A_580 = arith.index_cast %parallel_loop3A_579 : i32 to index
        %parallel_loop3A_581 = arith.index_cast %parallel_loop3A_138 : i32 to index
        %parallel_loop3A_582 = tpu.vector_load %arg4[%parallel_loop3A_580, %parallel_loop3A_581] {strides = array<i32>} : memref<100x512xf32, #tpu.memory_space<vmem>>, vector<1x16xf32>,
        %parallel_loop3A_583 = vector.shape_cast %parallel_loop3A_582 : vector<1x16xf32> to vector<16xf32>
        %parallel_loop3A_584 = arith.subf %parallel_loop3A_560, %parallel_loop3A_583 : vector<16xf32>
        %parallel_loop3A_585 = arith.constant 75 : i32
        %parallel_loop3A_586 = arith.index_cast %parallel_loop3A_585 : i32 to index
        %parallel_loop3A_587 = arith.index_cast %parallel_loop3A_138 : i32 to index
        %parallel_loop3A_588 = tpu.vector_load %arg4[%parallel_loop3A_586, %parallel_loop3A_587] {strides = array<i32>} : memref<100x512xf32, #tpu.memory_space<vmem>>, vector<1x16xf32>,
        %parallel_loop3A_589 = vector.shape_cast %parallel_loop3A_588 : vector<1x16xf32> to vector<16xf32>
        %parallel_loop3A_590 = arith.subf %parallel_loop3A_566, %parallel_loop3A_589 : vector<16xf32>
        %parallel_loop3A_591 = arith.constant 76 : i32
        %parallel_loop3A_592 = arith.index_cast %parallel_loop3A_591 : i32 to index
        %parallel_loop3A_593 = arith.index_cast %parallel_loop3A_138 : i32 to index
        %parallel_loop3A_594 = tpu.vector_load %arg4[%parallel_loop3A_592, %parallel_loop3A_593] {strides = array<i32>} : memref<100x512xf32, #tpu.memory_space<vmem>>, vector<1x16xf32>,
        %parallel_loop3A_595 = vector.shape_cast %parallel_loop3A_594 : vector<1x16xf32> to vector<16xf32>
        %parallel_loop3A_596 = arith.subf %parallel_loop3A_572, %parallel_loop3A_595 : vector<16xf32>
        %parallel_loop3A_597 = arith.constant 77 : i32
        %parallel_loop3A_598 = arith.index_cast %parallel_loop3A_597 : i32 to index
        %parallel_loop3A_599 = arith.index_cast %parallel_loop3A_138 : i32 to index
        %parallel_loop3A_600 = tpu.vector_load %arg4[%parallel_loop3A_598, %parallel_loop3A_599] {strides = array<i32>} : memref<100x512xf32, #tpu.memory_space<vmem>>, vector<1x16xf32>,
        %parallel_loop3A_601 = vector.shape_cast %parallel_loop3A_600 : vector<1x16xf32> to vector<16xf32>
        %parallel_loop3A_602 = arith.subf %parallel_loop3A_578, %parallel_loop3A_601 : vector<16xf32>
        %parallel_loop3A_603 = arith.constant 78 : i32
        %parallel_loop3A_604 = arith.index_cast %parallel_loop3A_603 : i32 to index
        %parallel_loop3A_605 = arith.index_cast %parallel_loop3A_138 : i32 to index
        %parallel_loop3A_606 = tpu.vector_load %arg4[%parallel_loop3A_604, %parallel_loop3A_605] {strides = array<i32>} : memref<100x512xf32, #tpu.memory_space<vmem>>, vector<1x16xf32>,
        %parallel_loop3A_607 = vector.shape_cast %parallel_loop3A_606 : vector<1x16xf32> to vector<16xf32>
        %parallel_loop3A_608 = arith.subf %parallel_loop3A_584, %parallel_loop3A_607 : vector<16xf32>
        %parallel_loop3A_609 = arith.constant 79 : i32
        %parallel_loop3A_610 = arith.index_cast %parallel_loop3A_609 : i32 to index
        %parallel_loop3A_611 = arith.index_cast %parallel_loop3A_138 : i32 to index
        %parallel_loop3A_612 = tpu.vector_load %arg4[%parallel_loop3A_610, %parallel_loop3A_611] {strides = array<i32>} : memref<100x512xf32, #tpu.memory_space<vmem>>, vector<1x16xf32>,
        %parallel_loop3A_613 = vector.shape_cast %parallel_loop3A_612 : vector<1x16xf32> to vector<16xf32>
        %parallel_loop3A_614 = arith.subf %parallel_loop3A_590, %parallel_loop3A_613 : vector<16xf32>
        %parallel_loop3A_615 = arith.constant 80 : i32
        %parallel_loop3A_616 = arith.index_cast %parallel_loop3A_615 : i32 to index
        %parallel_loop3A_617 = arith.index_cast %parallel_loop3A_138 : i32 to index
        %parallel_loop3A_618 = tpu.vector_load %arg4[%parallel_loop3A_616, %parallel_loop3A_617] {strides = array<i32>} : memref<100x512xf32, #tpu.memory_space<vmem>>, vector<1x16xf32>,
        %parallel_loop3A_619 = vector.shape_cast %parallel_loop3A_618 : vector<1x16xf32> to vector<16xf32>
        %parallel_loop3A_620 = arith.subf %parallel_loop3A_596, %parallel_loop3A_619 : vector<16xf32>
        %parallel_loop3A_621 = arith.constant 81 : i32
        %parallel_loop3A_622 = arith.index_cast %parallel_loop3A_621 : i32 to index
        %parallel_loop3A_623 = arith.index_cast %parallel_loop3A_138 : i32 to index
        %parallel_loop3A_624 = tpu.vector_load %arg4[%parallel_loop3A_622, %parallel_loop3A_623] {strides = array<i32>} : memref<100x512xf32, #tpu.memory_space<vmem>>, vector<1x16xf32>,
        %parallel_loop3A_625 = vector.shape_cast %parallel_loop3A_624 : vector<1x16xf32> to vector<16xf32>
        %parallel_loop3A_626 = arith.subf %parallel_loop3A_602, %parallel_loop3A_625 : vector<16xf32>
        %parallel_loop3A_627 = arith.constant 82 : i32
        %parallel_loop3A_628 = arith.index_cast %parallel_loop3A_627 : i32 to index
        %parallel_loop3A_629 = arith.index_cast %parallel_loop3A_138 : i32 to index
        %parallel_loop3A_630 = tpu.vector_load %arg4[%parallel_loop3A_628, %parallel_loop3A_629] {strides = array<i32>} : memref<100x512xf32, #tpu.memory_space<vmem>>, vector<1x16xf32>,
        %parallel_loop3A_631 = vector.shape_cast %parallel_loop3A_630 : vector<1x16xf32> to vector<16xf32>
        %parallel_loop3A_632 = arith.subf %parallel_loop3A_608, %parallel_loop3A_631 : vector<16xf32>
        %parallel_loop3A_633 = arith.constant 83 : i32
        %parallel_loop3A_634 = arith.index_cast %parallel_loop3A_633 : i32 to index
        %parallel_loop3A_635 = arith.index_cast %parallel_loop3A_138 : i32 to index
        %parallel_loop3A_636 = tpu.vector_load %arg4[%parallel_loop3A_634, %parallel_loop3A_635] {strides = array<i32>} : memref<100x512xf32, #tpu.memory_space<vmem>>, vector<1x16xf32>,
        %parallel_loop3A_637 = vector.shape_cast %parallel_loop3A_636 : vector<1x16xf32> to vector<16xf32>
        %parallel_loop3A_638 = arith.subf %parallel_loop3A_614, %parallel_loop3A_637 : vector<16xf32>
        %parallel_loop3A_639 = arith.constant 84 : i32
        %parallel_loop3A_640 = arith.index_cast %parallel_loop3A_639 : i32 to index
        %parallel_loop3A_641 = arith.index_cast %parallel_loop3A_138 : i32 to index
        %parallel_loop3A_642 = tpu.vector_load %arg4[%parallel_loop3A_640, %parallel_loop3A_641] {strides = array<i32>} : memref<100x512xf32, #tpu.memory_space<vmem>>, vector<1x16xf32>,
        %parallel_loop3A_643 = vector.shape_cast %parallel_loop3A_642 : vector<1x16xf32> to vector<16xf32>
        %parallel_loop3A_644 = arith.subf %parallel_loop3A_620, %parallel_loop3A_643 : vector<16xf32>
        %parallel_loop3A_645 = arith.constant 85 : i32
        %parallel_loop3A_646 = arith.index_cast %parallel_loop3A_645 : i32 to index
        %parallel_loop3A_647 = arith.index_cast %parallel_loop3A_138 : i32 to index
        %parallel_loop3A_648 = tpu.vector_load %arg4[%parallel_loop3A_646, %parallel_loop3A_647] {strides = array<i32>} : memref<100x512xf32, #tpu.memory_space<vmem>>, vector<1x16xf32>,
        %parallel_loop3A_649 = vector.shape_cast %parallel_loop3A_648 : vector<1x16xf32> to vector<16xf32>
        %parallel_loop3A_650 = arith.subf %parallel_loop3A_626, %parallel_loop3A_649 : vector<16xf32>
        %parallel_loop3A_651 = arith.constant 86 : i32
        %parallel_loop3A_652 = arith.index_cast %parallel_loop3A_651 : i32 to index
        %parallel_loop3A_653 = arith.index_cast %parallel_loop3A_138 : i32 to index
        %parallel_loop3A_654 = tpu.vector_load %arg4[%parallel_loop3A_652, %parallel_loop3A_653] {strides = array<i32>} : memref<100x512xf32, #tpu.memory_space<vmem>>, vector<1x16xf32>,
        %parallel_loop3A_655 = vector.shape_cast %parallel_loop3A_654 : vector<1x16xf32> to vector<16xf32>
        %parallel_loop3A_656 = arith.subf %parallel_loop3A_632, %parallel_loop3A_655 : vector<16xf32>
        %parallel_loop3A_657 = arith.constant 87 : i32
        %parallel_loop3A_658 = arith.index_cast %parallel_loop3A_657 : i32 to index
        %parallel_loop3A_659 = arith.index_cast %parallel_loop3A_138 : i32 to index
        %parallel_loop3A_660 = tpu.vector_load %arg4[%parallel_loop3A_658, %parallel_loop3A_659] {strides = array<i32>} : memref<100x512xf32, #tpu.memory_space<vmem>>, vector<1x16xf32>,
        %parallel_loop3A_661 = vector.shape_cast %parallel_loop3A_660 : vector<1x16xf32> to vector<16xf32>
        %parallel_loop3A_662 = arith.subf %parallel_loop3A_638, %parallel_loop3A_661 : vector<16xf32>
        %parallel_loop3A_663 = arith.constant 88 : i32
        %parallel_loop3A_664 = arith.index_cast %parallel_loop3A_663 : i32 to index
        %parallel_loop3A_665 = arith.index_cast %parallel_loop3A_138 : i32 to index
        %parallel_loop3A_666 = tpu.vector_load %arg4[%parallel_loop3A_664, %parallel_loop3A_665] {strides = array<i32>} : memref<100x512xf32, #tpu.memory_space<vmem>>, vector<1x16xf32>,
        %parallel_loop3A_667 = vector.shape_cast %parallel_loop3A_666 : vector<1x16xf32> to vector<16xf32>
        %parallel_loop3A_668 = arith.subf %parallel_loop3A_644, %parallel_loop3A_667 : vector<16xf32>
        %parallel_loop3A_669 = arith.constant 89 : i32
        %parallel_loop3A_670 = arith.index_cast %parallel_loop3A_669 : i32 to index
        %parallel_loop3A_671 = arith.index_cast %parallel_loop3A_138 : i32 to index
        %parallel_loop3A_672 = tpu.vector_load %arg4[%parallel_loop3A_670, %parallel_loop3A_671] {strides = array<i32>} : memref<100x512xf32, #tpu.memory_space<vmem>>, vector<1x16xf32>,
        %parallel_loop3A_673 = vector.shape_cast %parallel_loop3A_672 : vector<1x16xf32> to vector<16xf32>
        %parallel_loop3A_674 = arith.subf %parallel_loop3A_650, %parallel_loop3A_673 : vector<16xf32>
        %parallel_loop3A_675 = arith.constant 90 : i32
        %parallel_loop3A_676 = arith.index_cast %parallel_loop3A_675 : i32 to index
        %parallel_loop3A_677 = arith.index_cast %parallel_loop3A_138 : i32 to index
        %parallel_loop3A_678 = tpu.vector_load %arg4[%parallel_loop3A_676, %parallel_loop3A_677] {strides = array<i32>} : memref<100x512xf32, #tpu.memory_space<vmem>>, vector<1x16xf32>,
        %parallel_loop3A_679 = vector.shape_cast %parallel_loop3A_678 : vector<1x16xf32> to vector<16xf32>
        %parallel_loop3A_680 = arith.subf %parallel_loop3A_656, %parallel_loop3A_679 : vector<16xf32>
        %parallel_loop3A_681 = arith.constant 91 : i32
        %parallel_loop3A_682 = arith.index_cast %parallel_loop3A_681 : i32 to index
        %parallel_loop3A_683 = arith.index_cast %parallel_loop3A_138 : i32 to index
        %parallel_loop3A_684 = tpu.vector_load %arg4[%parallel_loop3A_682, %parallel_loop3A_683] {strides = array<i32>} : memref<100x512xf32, #tpu.memory_space<vmem>>, vector<1x16xf32>,
        %parallel_loop3A_685 = vector.shape_cast %parallel_loop3A_684 : vector<1x16xf32> to vector<16xf32>
        %parallel_loop3A_686 = arith.subf %parallel_loop3A_662, %parallel_loop3A_685 : vector<16xf32>
        %parallel_loop3A_687 = arith.constant 92 : i32
        %parallel_loop3A_688 = arith.index_cast %parallel_loop3A_687 : i32 to index
        %parallel_loop3A_689 = arith.index_cast %parallel_loop3A_138 : i32 to index
        %parallel_loop3A_690 = tpu.vector_load %arg4[%parallel_loop3A_688, %parallel_loop3A_689] {strides = array<i32>} : memref<100x512xf32, #tpu.memory_space<vmem>>, vector<1x16xf32>,
        %parallel_loop3A_691 = vector.shape_cast %parallel_loop3A_690 : vector<1x16xf32> to vector<16xf32>
        %parallel_loop3A_692 = arith.subf %parallel_loop3A_668, %parallel_loop3A_691 : vector<16xf32>
        %parallel_loop3A_693 = arith.constant 93 : i32
        %parallel_loop3A_694 = arith.index_cast %parallel_loop3A_693 : i32 to index
        %parallel_loop3A_695 = arith.index_cast %parallel_loop3A_138 : i32 to index
        %parallel_loop3A_696 = tpu.vector_load %arg4[%parallel_loop3A_694, %parallel_loop3A_695] {strides = array<i32>} : memref<100x512xf32, #tpu.memory_space<vmem>>, vector<1x16xf32>,
        %parallel_loop3A_697 = vector.shape_cast %parallel_loop3A_696 : vector<1x16xf32> to vector<16xf32>
        %parallel_loop3A_698 = arith.subf %parallel_loop3A_674, %parallel_loop3A_697 : vector<16xf32>
        %parallel_loop3A_699 = arith.constant 94 : i32
        %parallel_loop3A_700 = arith.index_cast %parallel_loop3A_699 : i32 to index
        %parallel_loop3A_701 = arith.index_cast %parallel_loop3A_138 : i32 to index
        %parallel_loop3A_702 = tpu.vector_load %arg4[%parallel_loop3A_700, %parallel_loop3A_701] {strides = array<i32>} : memref<100x512xf32, #tpu.memory_space<vmem>>, vector<1x16xf32>,
        %parallel_loop3A_703 = vector.shape_cast %parallel_loop3A_702 : vector<1x16xf32> to vector<16xf32>
        %parallel_loop3A_704 = arith.subf %parallel_loop3A_680, %parallel_loop3A_703 : vector<16xf32>
        %parallel_loop3A_705 = arith.constant 95 : i32
        %parallel_loop3A_706 = arith.index_cast %parallel_loop3A_705 : i32 to index
        %parallel_loop3A_707 = arith.index_cast %parallel_loop3A_138 : i32 to index
        %parallel_loop3A_708 = tpu.vector_load %arg4[%parallel_loop3A_706, %parallel_loop3A_707] {strides = array<i32>} : memref<100x512xf32, #tpu.memory_space<vmem>>, vector<1x16xf32>,
        %parallel_loop3A_709 = vector.shape_cast %parallel_loop3A_708 : vector<1x16xf32> to vector<16xf32>
        %parallel_loop3A_710 = arith.subf %parallel_loop3A_686, %parallel_loop3A_709 : vector<16xf32>
        %parallel_loop3A_711 = arith.constant 96 : i32
        %parallel_loop3A_712 = arith.index_cast %parallel_loop3A_711 : i32 to index
        %parallel_loop3A_713 = arith.index_cast %parallel_loop3A_138 : i32 to index
        %parallel_loop3A_714 = tpu.vector_load %arg4[%parallel_loop3A_712, %parallel_loop3A_713] {strides = array<i32>} : memref<100x512xf32, #tpu.memory_space<vmem>>, vector<1x16xf32>,
        %parallel_loop3A_715 = vector.shape_cast %parallel_loop3A_714 : vector<1x16xf32> to vector<16xf32>
        %parallel_loop3A_716 = arith.subf %parallel_loop3A_692, %parallel_loop3A_715 : vector<16xf32>
        %parallel_loop3A_717 = arith.constant 97 : i32
        %parallel_loop3A_718 = arith.index_cast %parallel_loop3A_717 : i32 to index
        %parallel_loop3A_719 = arith.index_cast %parallel_loop3A_138 : i32 to index
        %parallel_loop3A_720 = tpu.vector_load %arg4[%parallel_loop3A_718, %parallel_loop3A_719] {strides = array<i32>} : memref<100x512xf32, #tpu.memory_space<vmem>>, vector<1x16xf32>,
        %parallel_loop3A_721 = vector.shape_cast %parallel_loop3A_720 : vector<1x16xf32> to vector<16xf32>
        %parallel_loop3A_722 = arith.subf %parallel_loop3A_698, %parallel_loop3A_721 : vector<16xf32>
        %parallel_loop3A_723 = arith.constant 98 : i32
        %parallel_loop3A_724 = arith.index_cast %parallel_loop3A_723 : i32 to index
        %parallel_loop3A_725 = arith.index_cast %parallel_loop3A_138 : i32 to index
        %parallel_loop3A_726 = tpu.vector_load %arg4[%parallel_loop3A_724, %parallel_loop3A_725] {strides = array<i32>} : memref<100x512xf32, #tpu.memory_space<vmem>>, vector<1x16xf32>,
        %parallel_loop3A_727 = vector.shape_cast %parallel_loop3A_726 : vector<1x16xf32> to vector<16xf32>
        %parallel_loop3A_728 = arith.subf %parallel_loop3A_704, %parallel_loop3A_727 : vector<16xf32>
        %parallel_loop3A_729 = arith.constant 99 : i32
        %parallel_loop3A_730 = arith.index_cast %parallel_loop3A_729 : i32 to index
        %parallel_loop3A_731 = arith.index_cast %parallel_loop3A_138 : i32 to index
        %parallel_loop3A_732 = tpu.vector_load %arg4[%parallel_loop3A_730, %parallel_loop3A_731] {strides = array<i32>} : memref<100x512xf32, #tpu.memory_space<vmem>>, vector<1x16xf32>,
        %parallel_loop3A_733 = vector.shape_cast %parallel_loop3A_732 : vector<1x16xf32> to vector<16xf32>
        %parallel_loop3A_734 = arith.subf %parallel_loop3A_710, %parallel_loop3A_733 : vector<16xf32>
        %parallel_loop3A_735 = arith.addf %parallel_loop3A_716, %parallel_loop3A_722 : vector<16xf32>
        %parallel_loop3A_736 = arith.addf %parallel_loop3A_728, %parallel_loop3A_734 : vector<16xf32>
        %parallel_loop3A_737 = arith.addf %parallel_loop3A_735, %parallel_loop3A_736 : vector<16xf32>
        %parallel_loop3A_738 = arith.subf %parallel_loop3A_709, %parallel_loop3A_737 : vector<16xf32>
        %parallel_loop3A_739 = arith.constant 95 : i32
        %parallel_loop3A_740 = arith.index_cast %parallel_loop3A_739 : i32 to index
        %parallel_loop3A_741 = arith.index_cast %parallel_loop3A_138 : i32 to index
        %parallel_loop3A_742 = tpu.vector_load %arg4[%parallel_loop3A_740, %parallel_loop3A_741] {strides = array<i32>} : memref<100x512xf32, #tpu.memory_space<vmem>>, vector<1x16xf32>,
        %parallel_loop3A_743 = vector.shape_cast %parallel_loop3A_742 : vector<1x16xf32> to vector<16xf32>
        %parallel_loop3A_744 = vector.shape_cast %parallel_loop3A_738 : vector<16xf32> to vector<1x16xf32>
        tpu.vector_store %arg4[%parallel_loop3A_740, %parallel_loop3A_741], %parallel_loop3A_744 {strides = array<i32>} : memref<100x512xf32, #tpu.memory_space<vmem>>, vector<1x16xf32>,
      } {sc.loop_unroll_factor = 4 : i64, sc.parallel_access}
      %rem3A_116 = arith.constant 4 : i32
      %rem3A_117 = arith.remsi %scan3A_94, %rem3A_116 : i32
      %mul3A_118 = arith.constant 128 : i32
      %mul3A_119 = arith.muli %rem3A_117, %mul3A_118 : i32
      %mul3A_120 = arith.constant 128 : i32
      %mul3A_121 = arith.muli %scan3A_94, %mul3A_120 : i32
      %add3A_122 = arith.addi %mul3A_2, %mul3A_121 : i32
      %dma_start3A_123 = arith.constant 0 : i32
      %dma_start3A_124 = tpu.memref_slice %arg4[%dma_start3A_123, %mul3A_119] : memref<100x512xf32, #tpu.memory_space<vmem>> -> memref<100x128xf32, #tpu.memory_space<vmem>>
      %dma_start3A_125 = arith.constant 0 : i32
      %dma_start3A_126 = tpu.memref_slice %arg3[%dma_start3A_125, %add3A_122] : memref<100x16384xf32, #tpu.memory_space<hbm>> -> memref<100x128xf32, #tpu.memory_space<hbm>>
      %dma_start3A_127 = arith.constant 0 : i32
      %dma_start3A_128 = tpu.memref_slice %arg3[%dma_start3A_127, %add3A_122] : memref<100x16384xf32, #tpu.memory_space<hbm>> -> memref<100x128xf32, #tpu.memory_space<hbm>>
      %dma_start3A_129 = arith.constant 0 : i32
      %dma_start3A_130 = tpu.memref_slice %arg4[%dma_start3A_129, %mul3A_119] : memref<100x512xf32, #tpu.memory_space<vmem>> -> memref<100x128xf32, #tpu.memory_space<vmem>>
      tpu.enqueue_dma source(%dma_start3A_130 : memref<100x128xf32, #tpu.memory_space<vmem>>) target(%dma_start3A_128 : memref<100x128xf32, #tpu.memory_space<hbm>>) target_semaphore(%arg6 : memref<!tpu.dma_semaphore, #tpu.memory_space<semaphore_mem>>)
      %add3A_131 = arith.constant 2 : i32
      %add3A_132 = arith.addi %scan3A_94, %add3A_131 : i32
      %lt3A = arith.constant 4 : i32
      %lt3A_133 = arith.cmpi slt, %add3A_132, %lt3A : i32
      %convert_element_type3A = arith.extui %lt3A_133 : i1 to i32
      %cond3A = arith.constant 0 : i32
      %cond3A_134 = arith.cmpi ne, %convert_element_type3A, %cond3A : i32
      scf.if %cond3A_134 {
        %add3A_135 = arith.constant 2 : i32
        %add3A_136 = arith.addi %scan3A_94, %add3A_135 : i32
        %rem3A_137 = arith.constant 4 : i32
        %rem3A_138 = arith.remsi %add3A_136, %rem3A_137 : i32
        %mul3A_139 = arith.constant 128 : i32
        %mul3A_140 = arith.muli %add3A_136, %mul3A_139 : i32
        %add3A_141 = arith.addi %mul3A_2, %mul3A_140 : i32
        %mul3A_142 = arith.constant 128 : i32
        %mul3A_143 = arith.muli %rem3A_138, %mul3A_142 : i32
        %dma_start3A_144 = arith.constant 0 : i32
        %dma_start3A_145 = tpu.memref_slice %arg4[%dma_start3A_144, %mul3A_143] : memref<100x512xf32, #tpu.memory_space<vmem>> -> memref<100x128xf32, #tpu.memory_space<vmem>>
        %dma_start3A_146 = arith.constant 0 : i32
        %dma_start3A_147 = tpu.memref_slice %arg2[%dma_start3A_146, %add3A_141] : memref<100x16384xf32, #tpu.memory_space<hbm>> -> memref<100x128xf32, #tpu.memory_space<hbm>>
        %dma_start3A_148 = arith.constant 0 : i32
        %dma_start3A_149 = tpu.memref_slice %arg4[%dma_start3A_148, %mul3A_143] : memref<100x512xf32, #tpu.memory_space<vmem>> -> memref<100x128xf32, #tpu.memory_space<vmem>>
        %dma_start3A_150 = arith.constant 0 : i32
        %dma_start3A_151 = tpu.memref_slice %arg2[%dma_start3A_150, %add3A_141] : memref<100x16384xf32, #tpu.memory_space<hbm>> -> memref<100x128xf32, #tpu.memory_space<hbm>>
        tpu.enqueue_dma source(%dma_start3A_151 : memref<100x128xf32, #tpu.memory_space<hbm>>) target(%dma_start3A_149 : memref<100x128xf32, #tpu.memory_space<vmem>>) target_semaphore(%arg5 : memref<!tpu.dma_semaphore, #tpu.memory_space<semaphore_mem>>)
      } else {
      }
    }
    %scan3A_34 = arith.constant 4 : i32
    %rem3A_35 = arith.constant 0 : i32
    %rem3A_36 = arith.constant 4 : i32
    %rem3A_37 = arith.remsi %rem3A_35, %rem3A_36 : i32
    %mul3A_38 = arith.constant 128 : i32
    %mul3A_39 = arith.muli %rem3A_37, %mul3A_38 : i32
    %add3A_40 = arith.constant 0 : i32
    %add3A_41 = arith.addi %mul3A_2, %add3A_40 : i32
    %dma_wait3A = arith.constant 0 : i32
    %dma_wait3A_42 = tpu.memref_slice %arg4[%dma_wait3A, %mul3A_39] : memref<100x512xf32, #tpu.memory_space<vmem>> -> memref<100x128xf32, #tpu.memory_space<vmem>>
    %dma_wait3A_43 = arith.constant 0 : i32
    %dma_wait3A_44 = tpu.memref_slice %arg3[%dma_wait3A_43, %add3A_41] : memref<100x16384xf32, #tpu.memory_space<hbm>> -> memref<100x128xf32, #tpu.memory_space<hbm>>
    %dma_wait3A_45 = arith.constant 0 : i32
    %dma_wait3A_46 = tpu.memref_slice %arg3[%dma_wait3A_45, %add3A_41] : memref<100x16384xf32, #tpu.memory_space<hbm>> -> memref<100x128xf32, #tpu.memory_space<hbm>>
    %dma_wait3A_47 = arith.constant 0 : i32
    %dma_wait3A_48 = tpu.memref_slice %arg4[%dma_wait3A_47, %mul3A_39] : memref<100x512xf32, #tpu.memory_space<vmem>> -> memref<100x128xf32, #tpu.memory_space<vmem>>
    tpu.wait_dma2 semaphore(%arg6 : memref<!tpu.dma_semaphore, #tpu.memory_space<semaphore_mem>>) src(%dma_wait3A_48 : memref<100x128xf32, #tpu.memory_space<vmem>>) dst(%dma_wait3A_46 : memref<100x128xf32, #tpu.memory_space<hbm>>)
    %rem3A_49 = arith.constant 1 : i32
    %rem3A_50 = arith.constant 4 : i32
    %rem3A_51 = arith.remsi %rem3A_49, %rem3A_50 : i32
    %mul3A_52 = arith.constant 128 : i32
    %mul3A_53 = arith.muli %rem3A_51, %mul3A_52 : i32
    %add3A_54 = arith.constant 128 : i32
    %add3A_55 = arith.addi %mul3A_2, %add3A_54 : i32
    %dma_wait3A_56 = arith.constant 0 : i32
    %dma_wait3A_57 = tpu.memref_slice %arg4[%dma_wait3A_56, %mul3A_53] : memref<100x512xf32, #tpu.memory_space<vmem>> -> memref<100x128xf32, #tpu.memory_space<vmem>>
    %dma_wait3A_58 = arith.constant 0 : i32
    %dma_wait3A_59 = tpu.memref_slice %arg3[%dma_wait3A_58, %add3A_55] : memref<100x16384xf32, #tpu.memory_space<hbm>> -> memref<100x128xf32, #tpu.memory_space<hbm>>
    %dma_wait3A_60 = arith.constant 0 : i32
    %dma_wait3A_61 = tpu.memref_slice %arg3[%dma_wait3A_60, %add3A_55] : memref<100x16384xf32, #tpu.memory_space<hbm>> -> memref<100x128xf32, #tpu.memory_space<hbm>>
    %dma_wait3A_62 = arith.constant 0 : i32
    %dma_wait3A_63 = tpu.memref_slice %arg4[%dma_wait3A_62, %mul3A_53] : memref<100x512xf32, #tpu.memory_space<vmem>> -> memref<100x128xf32, #tpu.memory_space<vmem>>
    tpu.wait_dma2 semaphore(%arg6 : memref<!tpu.dma_semaphore, #tpu.memory_space<semaphore_mem>>) src(%dma_wait3A_63 : memref<100x128xf32, #tpu.memory_space<vmem>>) dst(%dma_wait3A_61 : memref<100x128xf32, #tpu.memory_space<hbm>>)
    %rem3A_64 = arith.constant 2 : i32
    %rem3A_65 = arith.constant 4 : i32
    %rem3A_66 = arith.remsi %rem3A_64, %rem3A_65 : i32
    %mul3A_67 = arith.constant 128 : i32
    %mul3A_68 = arith.muli %rem3A_66, %mul3A_67 : i32
    %add3A_69 = arith.constant 256 : i32
    %add3A_70 = arith.addi %mul3A_2, %add3A_69 : i32
    %dma_wait3A_71 = arith.constant 0 : i32
    %dma_wait3A_72 = tpu.memref_slice %arg4[%dma_wait3A_71, %mul3A_68] : memref<100x512xf32, #tpu.memory_space<vmem>> -> memref<100x128xf32, #tpu.memory_space<vmem>>
    %dma_wait3A_73 = arith.constant 0 : i32
    %dma_wait3A_74 = tpu.memref_slice %arg3[%dma_wait3A_73, %add3A_70] : memref<100x16384xf32, #tpu.memory_space<hbm>> -> memref<100x128xf32, #tpu.memory_space<hbm>>
    %dma_wait3A_75 = arith.constant 0 : i32
    %dma_wait3A_76 = tpu.memref_slice %arg3[%dma_wait3A_75, %add3A_70] : memref<100x16384xf32, #tpu.memory_space<hbm>> -> memref<100x128xf32, #tpu.memory_space<hbm>>
    %dma_wait3A_77 = arith.constant 0 : i32
    %dma_wait3A_78 = tpu.memref_slice %arg4[%dma_wait3A_77, %mul3A_68] : memref<100x512xf32, #tpu.memory_space<vmem>> -> memref<100x128xf32, #tpu.memory_space<vmem>>
    tpu.wait_dma2 semaphore(%arg6 : memref<!tpu.dma_semaphore, #tpu.memory_space<semaphore_mem>>) src(%dma_wait3A_78 : memref<100x128xf32, #tpu.memory_space<vmem>>) dst(%dma_wait3A_76 : memref<100x128xf32, #tpu.memory_space<hbm>>)
    %rem3A_79 = arith.constant 3 : i32
    %rem3A_80 = arith.constant 4 : i32
    %rem3A_81 = arith.remsi %rem3A_79, %rem3A_80 : i32
    %mul3A_82 = arith.constant 128 : i32
    %mul3A_83 = arith.muli %rem3A_81, %mul3A_82 : i32
    %add3A_84 = arith.constant 384 : i32
    %add3A_85 = arith.addi %mul3A_2, %add3A_84 : i32
    %dma_wait3A_86 = arith.constant 0 : i32
    %dma_wait3A_87 = tpu.memref_slice %arg4[%dma_wait3A_86, %mul3A_83] : memref<100x512xf32, #tpu.memory_space<vmem>> -> memref<100x128xf32, #tpu.memory_space<vmem>>
    %dma_wait3A_88 = arith.constant 0 : i32
    %dma_wait3A_89 = tpu.memref_slice %arg3[%dma_wait3A_88, %add3A_85] : memref<100x16384xf32, #tpu.memory_space<hbm>> -> memref<100x128xf32, #tpu.memory_space<hbm>>
    %dma_wait3A_90 = arith.constant 0 : i32
    %dma_wait3A_91 = tpu.memref_slice %arg3[%dma_wait3A_90, %add3A_85] : memref<100x16384xf32, #tpu.memory_space<hbm>> -> memref<100x128xf32, #tpu.memory_space<hbm>>
    %dma_wait3A_92 = arith.constant 0 : i32
    %dma_wait3A_93 = tpu.memref_slice %arg4[%dma_wait3A_92, %mul3A_83] : memref<100x512xf32, #tpu.memory_space<vmem>> -> memref<100x128xf32, #tpu.memory_space<vmem>>
    tpu.wait_dma2 semaphore(%arg6 : memref<!tpu.dma_semaphore, #tpu.memory_space<semaphore_mem>>) src(%dma_wait3A_93 : memref<100x128xf32, #tpu.memory_space<vmem>>) dst(%dma_wait3A_91 : memref<100x128xf32, #tpu.memory_space<hbm>>)
    return
  }
}

</mosaic_0001>

<sc_bundles>
// kernel: kernel.3.cloned.1.call-start
scs
__scs_entry_jumppad:
0x0: {  	(pc) =	sbr.rel $0x88, $3  }
0x1: {  	(tag) =	ssettag $0x0;
	lr =	simm.s32 $0x1  }
0x2: {  	[smem:$0x3FA0] =	sst lr;
	_ =	strace $0xD0000000  }
0x3: {  	_ = 	snop  }
0x4: {  	_ = 	snop  }
0x5: {  	_ = 	snop  }
0x6: {  	_ = 	snop  }
0x7: {  	_ = 	snop  }
__scs_overlays_trampoline_lowered:
0x8: {  	[smem:$0x3FAF] =	sst s0  }
0x9: {  	[smem:$0x3FB0] =	sst s1  }
0xa: {  	[smem:$0x3FB1] =	sst s2  }
0xb: {  	[smem:$0x3FB2] =	sst s3  }
0xc: {  	[smem:$0x3FB3] =	sst s4  }
0xd: {  	[smem:$0x3FB4] =	sst s5  }
0xe: {  	[smem:$0x3FB5] =	sst s6  }
0xf: {  	[smem:$0x3FB6] =	sst s7  }
0x10: {  	[smem:$0x3FB7] =	sst s8  }
0x11: {  	[smem:$0x3FB8] =	sst s9;
	s0 =	simm.s32 @!p0 $0x0  }
0x12: {  	s1 =	sld [smem:$0x3F9E];
	s0 =	simm.s32 @p0 $0x1  }
0x13: {  	[smem:$0x3FB9] =	sst s0;
	s0 =	simm.s32 @!p1 $0x0  }
0x14: {  	s2 =	sld [smem:$0x3F9D];
	s0 =	simm.s32 @p1 $0x1  }
0x15: {  	[smem:$0x3FBA] =	sst s0;
	s0 =	simm.s32 @!p2 $0x0  }
0x16: {  	s3 =	sld [smem:$0x3FDB];
	s0 =	simm.s32 @p2 $0x1  }
0x17: {  	s4 =	simm.s32 $0x1BF5;
	[smem:$0x3FBC] =	sst s0  }
0x18: {  	s0 =	sld [smem:$0x3F9F];
	_ =	swait.ge [sflag:s4], $0x0  }
0x19: {  	s7 =	sld [smem:$0x3FA0]  }
0x1a: {  	s8 =	sadd.s32 $0xFFFFE003, lr  }
0x1b: {  	s9 =	sadd.s32 $0xFFFFFEF7, lr;
	s5 =	simm.s32 $0xFFFFFFFF;
	p2 =	slt.u32 s8, $0xFFFFF086  }
0x1c: {  	p1 =	slt.u32 s9, $0xF7A;
	s5 =	simm.s32 @!p2 $0x0  }
0x1d: {  	s5 =	simm.s32 @p1 $0x1;
	p0 =	seq.s32 s7, s2  }
0x1e: {  	s7 =	smul.u32 @!p0 $0xF7A, s2;
	p2 =	seq.s32 @!p0 s5, $0x0  }
0x1f: {  	s9 =	smul.u32 $0xF7A, s1;
	s8 =	simm.s32 @!p0 $0x1BF5;
	p2 =	por !p2, p0  }
0x20: {  	[sflag:s8] =	ssyncset.s32 @!p0 $0xFFFFF086;
	s6 =	sadd.s32 @!p0 s3, s7;
	s7 =	simm.s32 @!p0 $0x108  }
0x21: {  	s3 =	sadd.s32 s3, s9;
	s6 =	sadd.s32 @!p0 $0x88, s6;
	s7 =	simm.s32 @p2 $0x1082  }
0x22: {  	[simem:s7], [sflag:s8] =	dma.local @!p0 [hbm:s6], $0xF7A  }
0x23: {  	s9 =	sor.u32 $0xD0000000, s2;
	s6 =	simm.s32 $0x108;
	_ =	swait.ge @!p0 [sflag:s8], $0x0  }
0x24: {  	s3 =	sadd.s32 $0x88, s3;
	s6 =	simm.s32 @!p1 $0x1082;
	[sflag:s4] =	ssyncset.s32 $0xFFFFF086  }
0x25: {  	[simem:s6], [sflag:s4] =	dma.local [hbm:s3], $0xF7A  }
0x26: {  	[smem:$0x3FA0] =	sst s1;
	(tag) =	ssettag s2;
	_ =	strace s9  }
0x27: {  	s1 =	sld [smem:$0x3FB0]  }
0x28: {  	s2 =	sld [smem:$0x3FB1]  }
0x29: {  	s4 =	sld [smem:$0x3FB3]  }
0x2a: {  	p0 =	seq.s32 s5, $0x0;
	s5 =	sld [smem:$0x3FB4]  }
0x2b: {  	s6 =	sld [smem:$0x3FB5]  }
0x2c: {  	s7 =	sld [smem:$0x3FB6]  }
0x2d: {  	s3 =	simm.s32 $0x108;
	s8 =	sld [smem:$0x3FB7]  }
0x2e: {  	s3 =	simm.s32 @!p0 $0x1082;
	s9 =	sld [smem:$0x3FB8]  }
0x2f: {  	lr =	sadd.s32 s0, s3;
	s0 =	sld [smem:$0x3FAF]  }
0x30: {  	s3 =	sld [smem:$0x3FB2]  }
0x31: {  	[smem:$0x3FBB] =	sst s10  }
0x32: {  	s10 =	sld [smem:$0x3FB9];
	_ =	sdelay $0x3  }
0x33: {  	p0 =	seq.s32 s10, $0x1;
	s10 =	sld [smem:$0x3FBB];
	_ =	sdelay $0x3  }
0x34: {  	[smem:$0x3FBB] =	sst s10  }
0x35: {  	s10 =	sld [smem:$0x3FBA];
	_ =	sdelay $0x3  }
0x36: {  	p1 =	seq.s32 s10, $0x1;
	s10 =	sld [smem:$0x3FBB];
	_ =	sdelay $0x3  }
0x37: {  	[smem:$0x3FBB] =	sst s10  }
0x38: {  	s10 =	sld [smem:$0x3FBC]  }
0x39: {  	_ = 	snop;
	(pc) =	sbr.ind lr, $3  }
0x3a: {  	_ = 	snop  }
0x3b: {  	_ = 	snop  }
0x3c: {  	p2 =	seq.s32 s10, $0x1;
	s10 =	sld [smem:$0x3FBB]  }
0x3d: {  	_ =	shalt  }
0x3e: {  	_ =	shalt  }
0x3f: {  	_ =	shalt  }
0x40: {  	_ =	shalt  }
0x41: {  	_ =	shalt  }
0x42: {  	_ =	shalt  }
0x43: {  	_ =	shalt  }
0x44: {  	_ =	shalt  }
0x45: {  	_ =	shalt  }
0x46: {  	_ =	shalt  }
0x47: {  	_ =	shalt  }
0x48: {  	_ =	shalt  }
0x49: {  	_ =	shalt  }
0x4a: {  	_ =	shalt  }
0x4b: {  	_ =	shalt  }
0x4c: {  	_ =	shalt  }
0x4d: {  	_ =	shalt  }
0x4e: {  	_ =	shalt  }
0x4f: {  	_ =	shalt  }
0x50: {  	_ =	shalt  }
0x51: {  	_ =	shalt  }
0x52: {  	_ =	shalt  }
0x53: {  	_ =	shalt  }
0x54: {  	_ =	shalt  }
0x55: {  	_ =	shalt  }
0x56: {  	_ =	shalt  }
0x57: {  	_ =	shalt  }
0x58: {  	_ =	shalt  }
0x59: {  	_ =	shalt  }
0x5a: {  	_ =	shalt  }
0x5b: {  	_ =	shalt  }
0x5c: {  	_ =	shalt  }
0x5d: {  	_ =	shalt  }
0x5e: {  	_ =	shalt  }
0x5f: {  	_ =	shalt  }
0x60: {  	_ =	shalt  }
0x61: {  	_ =	shalt  }
0x62: {  	_ =	shalt  }
0x63: {  	_ =	shalt  }
0x64: {  	_ =	shalt  }
0x65: {  	_ =	shalt  }
0x66: {  	_ =	shalt  }
0x67: {  	_ =	shalt  }
0x68: {  	_ =	shalt  }
0x69: {  	_ =	shalt  }
0x6a: {  	_ =	shalt  }
0x6b: {  	_ =	shalt  }
0x6c: {  	_ =	shalt  }
0x6d: {  	_ =	shalt  }
0x6e: {  	_ =	shalt  }
0x6f: {  	_ =	shalt  }
0x70: {  	_ =	shalt  }
0x71: {  	_ =	shalt  }
0x72: {  	_ =	shalt  }
0x73: {  	_ =	shalt  }
0x74: {  	_ =	shalt  }
0x75: {  	_ =	shalt  }
0x76: {  	_ =	shalt  }
0x77: {  	_ =	shalt  }
0x78: {  	_ =	shalt  }
0x79: {  	_ =	shalt  }
0x7a: {  	_ =	shalt  }
0x7b: {  	_ =	shalt  }
0x7c: {  	_ =	shalt  }
0x7d: {  	_ =	shalt  }
0x7e: {  	_ =	shalt  }
0x7f: {  	_ =	shalt  }
0x80: {  	_ =	shalt  }
0x81: {  	_ =	shalt  }
0x82: {  	_ =	shalt  }
0x83: {  	_ =	shalt  }
0x84: {  	_ =	shalt  }
0x85: {  	_ =	shalt  }
0x86: {  	_ =	shalt  }
0x87: {  	_ =	shalt  }
.Lfunc_end0:
.L_simem_size_0:
called_computation_lowered:
.L_overlay_start_0:
0x88: {  	s2 =	sld [smem:$0x3FD9]  }
0x89: {  	s3 =	sld [smem:$0x3FFE];
	_ =	sdelay $0x1  }
0x8a: {  	s1 =	srdreg.scid  }
0x8b: {  	s0 =	sand.u32 $0x1, s1  }
0x8c: {  	s18 =	sshll.u32 s0, $0xA;
	s2 =	sadd.s32 s3, s2  }
0x8d: {  	s2 =	sadd.s32 s2, s18  }
0x8e: {  	[smem:$0x3FC7] =	sst s2  }
0x8f: {  	_ = 	snop  }
0x90: {  	s2 =	sld [smem:$0x3FC9]  }
0x91: {  	s19 =	sld [smem:$0x3FD0];
	(tm) =	ssettm $0x1  }
0x92: {  	s4 =	sld [smem:$0x3FFB];
	_ =	sdelay $0x3  }
0x93: {  	_ =	strace s4  }
0x94: {  	s4 =	sld [smem:$0x3FFC];
	_ =	sdelay $0x3  }
0x95: {  	_ =	strace s4  }
0x96: {  	s4 =	sld [smem:$0x3FFD];
	_ =	sdelay $0x3  }
0x97: {  	_ =	strace s4  }
0x98: {  	_ =	strace $0x8FFFFFFF  }
0x99: {  	s20 =	sld [smem:$0x3FDB];
	_ =	sdelay $0x1  }
0x9a: {  	s5 =	simm.s32 $_scs_section_size  }
0x9b: {  	s6 =	simm.s32 $_size__tile_overlayer_lowered;
	s7 =	simm.s32 $_tile_overlayer_lowered  }
0x9c: {  	s23 =	simm.s32 $0x1BFF;
	s22 =	sshll.u32 s7, $0x1;
	s4 =	sadd.s32 s5, s20  }
0x9d: {  	s8 =	simm.s32 $0x0;
	s21 =	sshll.u32 s6, $0x1;
	s6 =	sadd.s32 s22, s4  }
0x9e: {  	[timem:s8], [sflag:s23] =	dma.local [hbm:s6], s21  }
0x9f: {  	_ =	swait.ge [sflag:s23], s21  }
0xa0: {  	s5 =	ssub.s32 $0x0, s21;
	[sflag:s23] =	ssyncset.done $0x0  }
0xa1: {  	[sflag:s23] =	ssyncadd.s32 s5;
	_ =	sdelay $0x1  }
0xa2: {  	s24 =	simm.s32 $0x1B8B  }
0xa3: {  	_ =	swait.ge [sflag:s24], $0x1  }
0xa4: {  	[sflag:s24] =	ssyncset.done $0x0  }
0xa5: {  	s25 =	simm.s32 $0x1B8E;
	[sflag:s24] =	ssyncadd.s32 $0xFFFFFFFF  }
0xa6: {  	s26 =	simm.s32 $execute0_lowered;
	[smem:$0x3FD2] =	sst s25  }
0xa7: {  	s5 =	sshll.u32 s26, $0x1;
	_ =	strace $0x80000046;
	[dreg:$0x1] =	wrdreg $0xFFFFFFFF  }
0xa8: {  	s28 =	simm.s32 $_size_execute0_lowered;
	s4 =	sadd.s32 s4, s5;
	[dreg:$0x0] =	wrdreg $0x0  }
0xa9: {  	s5 =	sshll.u32 s28, $0x1;
	[dreg:$0x2] =	wrdreg s4  }
0xaa: {  	[dreg:$0x3] =	wrdreg s5  }
0xab: {  	[dreg:$0x4] =	wrdreg $0xC0  }
0xac: {  	_ =	task [dreg:s8], $0x5FFFF  }
0xad: {  	[dreg:$0x1] =	wrdreg $0xFFFFFFFF  }
0xae: {  	[dreg:$0x0] =	wrdreg $0x60  }
0xaf: {  	[dreg:$0x2] =	wrdreg s2  }
0xb0: {  	[dreg:$0x3] =	wrdreg s19  }
0xb1: {  	[dreg:$0x4] =	wrdreg $0x9  }
0xb2: {  	_ =	task.clear_ibuf [dreg:s8], $0x5FFFF;
	_ =	strace $0x90000046  }
0xb3: {  	s29 =	simm.s32 $0x9;
	_ =	strace $0x80000048  }
0xb4: {  	_ =	swait.ge [sflag:s29], $0x1  }
0xb5: {  	[sflag:s29] =	ssyncadd.s32 $0xFFFFFFFF  }
0xb6: {  	_ =	strace $0x90000048  }
0xb7: {  	_ =	sfence  }
0xb8: {  	s30 =	sld [smem:$0x0];
	_ =	sdelay $0x2  }
0xb9: {  	s31 =	sshll.u32 s1, $0xD;
	s1 =	sshrl.u32 s1, $0x2  }
0xba: {  	s3 =	sand.u32 $0x4000, s31;
	s1 =	sadd.s32 s1, s30  }
0xbb: {  	s0 =	sor.u32 s3, s0;
	s1 =	sshll.u32 s1, $0x11  }
0xbc: {  	s0 =	sor.u32 s1, s0  }
0xbd: {  	s0 =	sadd.s32 $0x8F2B, s0  }
0xbe: {  	[sflag:s0] =	ssyncadd.remote.s32 $0x1  }
0xbf: {  	_ =	sfence.sel $0xFFFF  }
0xc0: {  	[dreg:$0x0] =	wrdreg $0xFFFFFFFF;
	(pc) =	sbr.abs _section_cstart, $3  }
0xc1: {  	[dreg:$0x1] =	wrdreg $0xFFFFFFFF  }
0xc2: {  	_ =	task.clear_ibuf [dreg:s8], $0x2FFFF;
	_ =	strace $0x9FFFFFFF  }
0xc3: {  	(tm) =	ssettm $0x7FFFFFFF  }
tec
execute0_lowered:
.L_overlay_start_1:
0x0: {  	(tag) =	ssettag $0x1  }
0x1: {  	s1 =	srdreg.scid  }
0x2: {  	s2 =	stileid.u32;
	s1 =	sand.u32 $0x1, s1  }
0x3: {  	s0 =	rddreg [dreg:$0x0];
	s3 =	sshll.u32 s2, $0xA;
	s5 =	sshll.u32 s1, $0x9  }
0x4: {  	s4 =	rddreg [dreg:$0x1];
	s1 =	ssub.s32 $0x2, s1;
	s5 =	sor.u32 s5, s3  }
0x5: {  	s2 =	simm.s32 $0x0;
	s6 =	sshrl.u32 s1, $0x1;
	s3 =	sadd.s32 s0, s5  }
0x6: {  	[smem:$0x7FF] =	sst s2;
	s14 =	ssub.s32 s1, s6;
	s15 =	sadd.s32 $0x80, s3  }
0x7: {  	_ =	strace $0x80000047;
	s0 =	smax.u32 s14, $0x1;
	[dreg:$0x3] =	wrdreg s15  }
0x8: {  	s16 =	sadd.s32 $0x4000, s3;
	[dreg:$0x4] =	wrdreg s0  }
0x9: {  	s17 =	sadd.s32 $0x8000, s3;
	[dreg:$0x5] =	wrdreg s16  }
0xa: {  	s18 =	sadd.s32 $0xC000, s3;
	[dreg:$0x6] =	wrdreg s17  }
0xb: {  	s19 =	sadd.s32 $0x10000, s3;
	[dreg:$0x7] =	wrdreg s18  }
0xc: {  	s20 =	sadd.s32 $0x14000, s3;
	[dreg:$0x8] =	wrdreg s19  }
0xd: {  	s5 =	sadd.s32 s4, s5;
	s21 =	sadd.s32 $0x18000, s3;
	[dreg:$0x9] =	wrdreg s20  }
0xe: {  	s1 =	simm.s32 $0x1;
	s22 =	sadd.s32 $0x1C000, s3;
	[dreg:$0xa] =	wrdreg s21  }
0xf: {  	s4 =	simm.s32 $0x0;
	s23 =	sadd.s32 $0x20000, s3;
	[dreg:$0xb] =	wrdreg s22  }
0x10: {  	s24 =	sadd.s32 $0x24000, s3;
	s25 =	sadd.s32 $0x28000, s3;
	[dreg:$0xc] =	wrdreg s23  }
0x11: {  	s26 =	sadd.s32 $0x2C000, s3;
	s28 =	sadd.s32 $0x24080, s3;
	[dreg:$0xd] =	wrdreg s24  }
0x12: {  	s29 =	sadd.s32 $0x28080, s3;
	s30 =	sadd.s32 $0x2C080, s3;
	[dreg:$0xe] =	wrdreg s25  }
0x13: {  	s31 =	sadd.s32 $0x30080, s3;
	[dreg:$0xf] =	wrdreg s26;
	s18 =	sadd.s32 $0x30000, s3  }
0x14: {  	s19 =	sadd.s32 $0x4080, s3;
	s20 =	sadd.s32 $0x8080, s3;
	s21 =	sadd.s32 $0xC080, s3  }
0x15: {  	s22 =	sadd.s32 $0x10080, s3;
	s23 =	sadd.s32 $0x14080, s3;
	s24 =	sadd.s32 $0x18080, s3  }
0x16: {  	s25 =	sadd.s32 $0x1C080, s3;
	s26 =	sadd.s32 $0x20080, s3;
	s0 =	simm.s32 $0x2  }
.LBB2_1:
0x17: {  	[tilespmem:s2], [sflag:$0x1] =	stream.linear.gather [hbm4b:s3+s2], $0x400, $0x38;
	[tilespmem:$0xD000] =	vst v63  }
0x18: {  	s6 =	rddreg [dreg:$0x5];
	s7 =	simm.s32 $0x1000  }
0x19: {  	[tilespmem:s7], [sflag:$0x1] =	stream.linear.gather [hbm4b:s6+s2], $0x400, $0x38;
	[tilespmem:$0xD000] =	vst v63  }
0x1a: {  	s14 =	rddreg [dreg:$0x6];
	s15 =	simm.s32 $0x2000  }
0x1b: {  	[tilespmem:s15], [sflag:$0x1] =	stream.linear.gather [hbm4b:s14+s2], $0x400, $0x38;
	[tilespmem:$0xD000] =	vst v63  }
0x1c: {  	s16 =	rddreg [dreg:$0x7];
	s17 =	simm.s32 $0x3000  }
0x1d: {  	[tilespmem:s17], [sflag:$0x1] =	stream.linear.gather [hbm4b:s16+s2], $0x400, $0x38;
	[tilespmem:$0xD000] =	vst v63  }
0x1e: {  	s8 =	rddreg [dreg:$0x8];
	s9 =	simm.s32 $0x4000  }
0x1f: {  	[tilespmem:s9], [sflag:$0x1] =	stream.linear.gather [hbm4b:s8+s2], $0x400, $0x38;
	[tilespmem:$0xD000] =	vst v63  }
0x20: {  	s10 =	rddreg [dreg:$0x9];
	s11 =	simm.s32 $0x5000  }
0x21: {  	[tilespmem:s11], [sflag:$0x1] =	stream.linear.gather [hbm4b:s10+s2], $0x400, $0x38;
	[tilespmem:$0xD000] =	vst v63  }
0x22: {  	s12 =	rddreg [dreg:$0xa];
	s13 =	simm.s32 $0x6000  }
0x23: {  	[tilespmem:s13], [sflag:$0x1] =	stream.linear.gather [hbm4b:s12+s2], $0x400, $0x38;
	[tilespmem:$0xD000] =	vst v63  }
0x24: {  	s14 =	rddreg [dreg:$0xb];
	s15 =	simm.s32 $0x7000  }
0x25: {  	[tilespmem:s15], [sflag:$0x1] =	stream.linear.gather [hbm4b:s14+s2], $0x400, $0x38;
	[tilespmem:$0xD000] =	vst v63  }
0x26: {  	s16 =	rddreg [dreg:$0xc];
	s17 =	simm.s32 $0x8000  }
0x27: {  	[tilespmem:s17], [sflag:$0x1] =	stream.linear.gather [hbm4b:s16+s2], $0x400, $0x38;
	[tilespmem:$0xD000] =	vst v63  }
0x28: {  	s8 =	rddreg [dreg:$0xd];
	s9 =	simm.s32 $0x9000  }
0x29: {  	[tilespmem:s9], [sflag:$0x1] =	stream.linear.gather [hbm4b:s8+s2], $0x400, $0x38;
	[tilespmem:$0xD000] =	vst v63  }
0x2a: {  	s10 =	rddreg [dreg:$0xe];
	s11 =	simm.s32 $0xA000  }
0x2b: {  	[tilespmem:s11], [sflag:$0x1] =	stream.linear.gather [hbm4b:s10+s2], $0x400, $0x38;
	[tilespmem:$0xD000] =	vst v63  }
0x2c: {  	s12 =	rddreg [dreg:$0xf];
	s13 =	simm.s32 $0xB000  }
0x2d: {  	[tilespmem:s13], [sflag:$0x1] =	stream.linear.gather [hbm4b:s12+s2], $0x400, $0x38;
	[tilespmem:$0xD000] =	vst v63  }
0x2e: {  	s14 =	simm.s32 $0xC000  }
0x2f: {  	[tilespmem:s14], [sflag:$0x1] =	stream.linear.gather [hbm4b:s18+s2], $0x400, $0x38;
	[tilespmem:$0xD000] =	vst v63  }
0x30: {  	s15 =	rddreg [dreg:$0x3];
	s16 =	simm.s32 $0x400  }
0x31: {  	[tilespmem:s16], [sflag:$0x1] =	stream.linear.gather [hbm4b:s15+s2], $0x400, $0x38;
	[tilespmem:$0xD000] =	vst v63  }
0x32: {  	s17 =	simm.s32 $0x1400  }
0x33: {  	[tilespmem:s17], [sflag:$0x1] =	stream.linear.gather [hbm4b:s19+s2], $0x400, $0x38;
	[tilespmem:$0xD000] =	vst v63  }
0x34: {  	s7 =	simm.s32 $0x2400  }
0x35: {  	[tilespmem:s7], [sflag:$0x1] =	stream.linear.gather [hbm4b:s20+s2], $0x400, $0x38;
	[tilespmem:$0xD000] =	vst v63  }
0x36: {  	s8 =	simm.s32 $0x3400  }
0x37: {  	[tilespmem:s8], [sflag:$0x1] =	stream.linear.gather [hbm4b:s21+s2], $0x400, $0x38;
	[tilespmem:$0xD000] =	vst v63  }
0x38: {  	s9 =	simm.s32 $0x4400  }
0x39: {  	[tilespmem:s9], [sflag:$0x1] =	stream.linear.gather [hbm4b:s22+s2], $0x400, $0x38;
	[tilespmem:$0xD000] =	vst v63  }
0x3a: {  	s10 =	simm.s32 $0x5400  }
0x3b: {  	[tilespmem:s10], [sflag:$0x1] =	stream.linear.gather [hbm4b:s23+s2], $0x400, $0x38;
	[tilespmem:$0xD000] =	vst v63  }
0x3c: {  	s11 =	simm.s32 $0x6400  }
0x3d: {  	[tilespmem:s11], [sflag:$0x1] =	stream.linear.gather [hbm4b:s24+s2], $0x400, $0x38;
	[tilespmem:$0xD000] =	vst v63  }
0x3e: {  	s12 =	simm.s32 $0x7400  }
0x3f: {  	[tilespmem:s12], [sflag:$0x1] =	stream.linear.gather [hbm4b:s25+s2], $0x400, $0x38;
	[tilespmem:$0xD000] =	vst v63  }
0x40: {  	s13 =	simm.s32 $0x8400  }
0x41: {  	[tilespmem:s13], [sflag:$0x1] =	stream.linear.gather [hbm4b:s26+s2], $0x400, $0x38;
	[tilespmem:$0xD000] =	vst v63  }
0x42: {  	s14 =	simm.s32 $0x9400  }
0x43: {  	[tilespmem:s14], [sflag:$0x1] =	stream.linear.gather [hbm4b:s28+s2], $0x400, $0x38;
	[tilespmem:$0xD000] =	vst v63  }
0x44: {  	s15 =	simm.s32 $0xA400  }
0x45: {  	[tilespmem:s15], [sflag:$0x1] =	stream.linear.gather [hbm4b:s29+s2], $0x400, $0x38;
	[tilespmem:$0xD000] =	vst v63  }
0x46: {  	s16 =	simm.s32 $0xB400  }
0x47: {  	[tilespmem:s16], [sflag:$0x1] =	stream.linear.gather [hbm4b:s30+s2], $0x400, $0x38;
	[tilespmem:$0xD000] =	vst v63  }
0x48: {  	s6 =	simm.s32 $0x0;
	s17 =	simm.s32 $0xC400  }
0x49: {  	[tilespmem:s17], [sflag:$0x1] =	stream.linear.gather [hbm4b:s31+s2], $0x400, $0x38;
	[tilespmem:$0xD000] =	vst v63  }
.LBB2_2:
0x4a: {  	_ =	swait.ge [sflag:s1], $0x3400  }
0x4b: {  	s7 =	sshll.u32 s6, $0x7;
	[sflag:s1] =	ssyncset.done $0x0  }
0x4c: {  	s8 =	simm.s32 $0x0;
	p0 =	por $0x1, $0x1;
	[sflag:s1] =	ssyncadd.s32 $0xFFFFCC00  }
.LBB2_3:
0x4d: {  	s9 =	sor.u32 s7, s8  }
0x4e: {  	s15 =	sshll.u32 s9, $0x3  }
0x4f: {  	s9 =	sor.u32 $0x10, s8;
	s10 =	sor.u32 s8, s15  }
0x50: {  	s14 =	sor.u32 s7, s9;
	s11 =	sor.u32 $0x200, s10;
	s12 =	sor.u32 $0x280, s10  }
0x51: {  	s13 =	sor.u32 $0x300, s10;
	s16 =	sor.u32 $0x380, s10;
	s10 =	sor.u32 $0x20, s8;
	v54 =	vld [tilespmem:s11+$0x0]  }
0x52: {  	s14 =	sshll.u32 s14, $0x3;
	v48 =	vld [tilespmem:s12+$0x0];
	s12 =	sor.u32 s7, s10;
	s11 =	sor.u32 $0x30, s8  }
0x53: {  	v42 =	vld [tilespmem:s13+$0x0];
	s17 =	sor.u32 s14, s8;
	s13 =	sshll.u32 s12, $0x3;
	s12 =	sor.u32 s7, s11  }
0x54: {  	v36 =	vld [tilespmem:s16+$0x0];
	s16 =	sor.u32 $0x310, s17;
	s17 =	sor.u32 s13, s8;
	s12 =	sshll.u32 s12, $0x3  }
0x55: {  	s15 =	sand.u32 $0xC00, s15;
	v0 =	vld [tilespmem:s16+$0x0];
	s16 =	sor.u32 $0x2A0, s17;
	s17 =	sor.u32 s12, s8  }
0x56: {  	v6 =	vld [tilespmem:s16+$0x0];
	s16 =	sor.u32 $0x230, s17;
	s17 =	sadd.s32 s8, s15  }
0x57: {  	v62 =	vld [tilespmem:s17+$0x7380];
	_ =	sdelay $0x4  }
0x58: {  	[tilespmem:$0x1F310] =	vst v62;
	v62 =	vld [tilespmem:s17+$0x8080];
	_ =	sdelay $0x4  }
0x59: {  	[tilespmem:$0x1F330] =	vst v62;
	v62 =	vld [tilespmem:s17+$0x8180];
	_ =	sdelay $0x4  }
0x5a: {  	[tilespmem:$0x1F350] =	vst v62;
	v62 =	vld [tilespmem:s17+$0x8280];
	_ =	sdelay $0x4  }
0x5b: {  	[tilespmem:$0x1F370] =	vst v62;
	v62 =	vld [tilespmem:s17+$0x8380];
	_ =	sdelay $0x4  }
0x5c: {  	[tilespmem:$0x1F390] =	vst v62;
	v62 =	vld [tilespmem:s17+$0x9080];
	_ =	sdelay $0x4  }
0x5d: {  	[tilespmem:$0x1F3B0] =	vst v62;
	v62 =	vld [tilespmem:s17+$0x9180];
	_ =	sdelay $0x4  }
0x5e: {  	[tilespmem:$0x1F3D0] =	vst v62;
	v62 =	vld [tilespmem:s17+$0x9280];
	_ =	sdelay $0x4  }
0x5f: {  	[tilespmem:$0x1F3F0] =	vst v62;
	v62 =	vld [tilespmem:s17+$0x9380];
	_ =	sdelay $0x4  }
0x60: {  	[tilespmem:$0x1F410] =	vst v62;
	v62 =	vld [tilespmem:s17+$0xA080];
	_ =	sdelay $0x4  }
0x61: {  	[tilespmem:$0x1F430] =	vst v62;
	v62 =	vld [tilespmem:s17+$0xA180];
	_ =	sdelay $0x4  }
0x62: {  	[tilespmem:$0x1F450] =	vst v62;
	v62 =	vld [tilespmem:s17+$0xA280];
	_ =	sdelay $0x4  }
0x63: {  	[tilespmem:$0x1F470] =	vst v62;
	v62 =	vld [tilespmem:s17+$0xA380];
	_ =	sdelay $0x4  }
0x64: {  	[tilespmem:$0x1F490] =	vst v62;
	v62 =	vld [tilespmem:s17+$0xB080];
	_ =	sdelay $0x4  }
0x65: {  	[tilespmem:$0x1F4B0] =	vst v62;
	v62 =	vld [tilespmem:s17+$0xB180];
	_ =	sdelay $0x4  }
0x66: {  	[tilespmem:$0x1F4D0] =	vst v62;
	v62 =	vld [tilespmem:s17+$0xB280];
	_ =	sdelay $0x4  }
0x67: {  	[tilespmem:$0x1F4F0] =	vst v62;
	v62 =	vld [tilespmem:s17+$0xC080];
	_ =	sdelay $0x4  }
0x68: {  	[tilespmem:$0x1F520] =	vst v62;
	v62 =	vld [tilespmem:s17+$0xC100];
	_ =	sdelay $0x4  }
0x69: {  	[tilespmem:$0x1F530] =	vst v62;
	v62 =	vld [tilespmem:s17+$0xC180];
	_ =	sdelay $0x2  }
0x6a: {  	s14 =	sand.u32 $0xC00, s14  }
0x6b: {  	s9 =	sadd.s32 s9, s14  }
0x6c: {  	[tilespmem:$0x1F540] =	vst v62;
	v62 =	vld [tilespmem:s9+$0x0];
	_ =	sdelay $0x4  }
0x6d: {  	[tilespmem:$0x1F550] =	vst v62;
	v62 =	vld [tilespmem:s9+$0x80];
	_ =	sdelay $0x4  }
0x6e: {  	[tilespmem:$0x1F570] =	vst v62;
	v62 =	vld [tilespmem:s9+$0x100];
	_ =	sdelay $0x4  }
0x6f: {  	[tilespmem:$0x1F590] =	vst v62;
	v62 =	vld [tilespmem:s9+$0x180];
	_ =	sdelay $0x4  }
0x70: {  	[tilespmem:$0x1F5C0] =	vst v62;
	v62 =	vld [tilespmem:s9+$0x200];
	_ =	sdelay $0x4  }
0x71: {  	[tilespmem:$0x1F560] =	vst v62;
	v62 =	vld [tilespmem:s9+$0x280];
	_ =	sdelay $0x4  }
0x72: {  	[tilespmem:$0x1F580] =	vst v62;
	v62 =	vld [tilespmem:s9+$0x300];
	_ =	sdelay $0x4  }
0x73: {  	[tilespmem:$0x1F5A0] =	vst v62;
	v62 =	vld [tilespmem:s9+$0x1000];
	_ =	sdelay $0x4  }
0x74: {  	[tilespmem:$0x1F5D0] =	vst v62;
	v62 =	vld [tilespmem:s9+$0x1080];
	_ =	sdelay $0x4  }
0x75: {  	[tilespmem:$0x1F5E0] =	vst v62;
	v62 =	vld [tilespmem:s9+$0x1100];
	_ =	sdelay $0x4  }
0x76: {  	[tilespmem:$0x1F5F0] =	vst v62;
	v62 =	vld [tilespmem:s9+$0x1180];
	_ =	sdelay $0x4  }
0x77: {  	[tilespmem:$0x1F600] =	vst v62;
	v62 =	vld [tilespmem:s9+$0x1200];
	_ =	sdelay $0x4  }
0x78: {  	[tilespmem:$0x1F610] =	vst v62;
	v62 =	vld [tilespmem:s9+$0x1280];
	_ =	sdelay $0x4  }
0x79: {  	[tilespmem:$0x1F620] =	vst v62;
	v62 =	vld [tilespmem:s9+$0x1300];
	_ =	sdelay $0x4  }
0x7a: {  	[tilespmem:$0x1F630] =	vst v62;
	v62 =	vld [tilespmem:s9+$0x1380];
	_ =	sdelay $0x4  }
0x7b: {  	[tilespmem:$0x1F640] =	vst v62;
	v62 =	vld [tilespmem:s9+$0x2000];
	_ =	sdelay $0x4  }
0x7c: {  	[tilespmem:$0x1F650] =	vst v62;
	v62 =	vld [tilespmem:s9+$0x2080];
	_ =	sdelay $0x4  }
0x7d: {  	[tilespmem:$0x1F660] =	vst v62;
	v62 =	vld [tilespmem:s9+$0x2100];
	_ =	sdelay $0x4  }
0x7e: {  	[tilespmem:$0x1F670] =	vst v62;
	v62 =	vld [tilespmem:s9+$0x2180];
	_ =	sdelay $0x4  }
0x7f: {  	[tilespmem:$0x1F680] =	vst v62;
	v62 =	vld [tilespmem:s9+$0x2200];
	_ =	sdelay $0x4  }
0x80: {  	[tilespmem:$0x1F690] =	vst v62;
	v62 =	vld [tilespmem:s9+$0x2280];
	_ =	sdelay $0x4  }
0x81: {  	[tilespmem:$0x1F6A0] =	vst v62;
	v62 =	vld [tilespmem:s9+$0x2300];
	_ =	sdelay $0x4  }
0x82: {  	[tilespmem:$0x1F6B0] =	vst v62;
	v62 =	vld [tilespmem:s9+$0x2380];
	_ =	sdelay $0x4  }
0x83: {  	[tilespmem:$0x1F6C0] =	vst v62;
	v62 =	vld [tilespmem:s9+$0x3000];
	_ =	sdelay $0x4  }
0x84: {  	[tilespmem:$0x1F6D0] =	vst v62;
	v62 =	vld [tilespmem:s9+$0x3080];
	_ =	sdelay $0x4  }
0x85: {  	[tilespmem:$0x1F6E0] =	vst v62;
	v62 =	vld [tilespmem:s9+$0x3100];
	_ =	sdelay $0x4  }
0x86: {  	[tilespmem:$0x1F6F0] =	vst v62;
	v62 =	vld [tilespmem:s9+$0x3180];
	_ =	sdelay $0x4  }
0x87: {  	[tilespmem:$0x1F700] =	vst v62;
	v62 =	vld [tilespmem:s9+$0x3200];
	_ =	sdelay $0x4  }
0x88: {  	[tilespmem:$0x1F710] =	vst v62;
	v62 =	vld [tilespmem:s9+$0x3280];
	_ =	sdelay $0x4  }
0x89: {  	[tilespmem:$0x1F720] =	vst v62;
	v62 =	vld [tilespmem:s9+$0x3300];
	_ =	sdelay $0x4  }
0x8a: {  	[tilespmem:$0x1F730] =	vst v62;
	v62 =	vld [tilespmem:s9+$0x3380];
	_ =	sdelay $0x4  }
0x8b: {  	[tilespmem:$0x1F740] =	vst v62;
	v62 =	vld [tilespmem:s9+$0x4000];
	_ =	sdelay $0x4  }
0x8c: {  	[tilespmem:$0x1F750] =	vst v62;
	v62 =	vld [tilespmem:s9+$0x4080];
	_ =	sdelay $0x4  }
0x8d: {  	[tilespmem:$0x1F760] =	vst v62;
	v62 =	vld [tilespmem:s9+$0x4100];
	_ =	sdelay $0x4  }
0x8e: {  	[tilespmem:$0x1F770] =	vst v62;
	v62 =	vld [tilespmem:s9+$0x4180];
	_ =	sdelay $0x4  }
0x8f: {  	[tilespmem:$0x1F780] =	vst v62;
	v62 =	vld [tilespmem:s9+$0x4200];
	_ =	sdelay $0x4  }
0x90: {  	[tilespmem:$0x1F790] =	vst v62;
	v62 =	vld [tilespmem:s9+$0x4280];
	_ =	sdelay $0x4  }
0x91: {  	[tilespmem:$0x1F7A0] =	vst v62;
	v62 =	vld [tilespmem:s9+$0x4300];
	_ =	sdelay $0x4  }
0x92: {  	[tilespmem:$0x1F7B0] =	vst v62;
	v62 =	vld [tilespmem:s9+$0x4380];
	_ =	sdelay $0x4  }
0x93: {  	[tilespmem:$0x1F7C0] =	vst v62;
	v62 =	vld [tilespmem:s9+$0x5000];
	_ =	sdelay $0x4  }
0x94: {  	[tilespmem:$0x1F7D0] =	vst v62;
	v62 =	vld [tilespmem:s9+$0x5080];
	_ =	sdelay $0x4  }
0x95: {  	[tilespmem:$0x1F7E0] =	vst v62;
	v62 =	vld [tilespmem:s9+$0x5100];
	_ =	sdelay $0x4  }
0x96: {  	[tilespmem:$0x1F7F0] =	vst v62;
	v62 =	vld [tilespmem:s9+$0x5180];
	_ =	sdelay $0x4  }
0x97: {  	[tilespmem:$0x1F800] =	vst v62;
	v62 =	vld [tilespmem:s9+$0x5200];
	_ =	sdelay $0x4  }
0x98: {  	[tilespmem:$0x1F810] =	vst v62;
	v62 =	vld [tilespmem:s9+$0x5280];
	_ =	sdelay $0x4  }
0x99: {  	[tilespmem:$0x1F820] =	vst v62;
	v62 =	vld [tilespmem:s9+$0x5300];
	_ =	sdelay $0x4  }
0x9a: {  	[tilespmem:$0x1F830] =	vst v62;
	v62 =	vld [tilespmem:s9+$0x5380];
	_ =	sdelay $0x4  }
0x9b: {  	[tilespmem:$0x1F840] =	vst v62;
	v62 =	vld [tilespmem:s9+$0x6000];
	_ =	sdelay $0x4  }
0x9c: {  	[tilespmem:$0x1F850] =	vst v62;
	v62 =	vld [tilespmem:s9+$0x6080];
	_ =	sdelay $0x4  }
0x9d: {  	[tilespmem:$0x1F860] =	vst v62;
	v62 =	vld [tilespmem:s9+$0x6100];
	_ =	sdelay $0x4  }
0x9e: {  	[tilespmem:$0x1F870] =	vst v62;
	v62 =	vld [tilespmem:s9+$0x6180];
	_ =	sdelay $0x4  }
0x9f: {  	[tilespmem:$0x1F880] =	vst v62;
	v62 =	vld [tilespmem:s9+$0x6200];
	_ =	sdelay $0x4  }
0xa0: {  	[tilespmem:$0x1F890] =	vst v62;
	v62 =	vld [tilespmem:s9+$0x6280];
	_ =	sdelay $0x4  }
0xa1: {  	[tilespmem:$0x1F8A0] =	vst v62;
	v62 =	vld [tilespmem:s9+$0x6300];
	_ =	sdelay $0x4  }
0xa2: {  	[tilespmem:$0x1F8B0] =	vst v62;
	v62 =	vld [tilespmem:s9+$0x6380];
	_ =	sdelay $0x4  }
0xa3: {  	[tilespmem:$0x1F8C0] =	vst v62;
	v62 =	vld [tilespmem:s9+$0x7000];
	_ =	sdelay $0x4  }
0xa4: {  	[tilespmem:$0x1F8D0] =	vst v62;
	v62 =	vld [tilespmem:s9+$0x7080];
	_ =	sdelay $0x4  }
0xa5: {  	[tilespmem:$0x1F8E0] =	vst v62;
	v62 =	vld [tilespmem:s9+$0x7100];
	_ =	sdelay $0x4  }
0xa6: {  	[tilespmem:$0x1F8F0] =	vst v62;
	v62 =	vld [tilespmem:s9+$0x7180];
	_ =	sdelay $0x4  }
0xa7: {  	[tilespmem:$0x1F900] =	vst v62;
	v62 =	vld [tilespmem:s9+$0x7200];
	_ =	sdelay $0x4  }
0xa8: {  	[tilespmem:$0x1F910] =	vst v62;
	v62 =	vld [tilespmem:s9+$0x7280];
	_ =	sdelay $0x4  }
0xa9: {  	[tilespmem:$0x1F920] =	vst v62;
	v62 =	vld [tilespmem:s9+$0x7300];
	_ =	sdelay $0x4  }
0xaa: {  	[tilespmem:$0x1F930] =	vst v62;
	v62 =	vld [tilespmem:s9+$0x7380];
	_ =	sdelay $0x4  }
0xab: {  	[tilespmem:$0x1F940] =	vst v62;
	v62 =	vld [tilespmem:s9+$0x8000];
	_ =	sdelay $0x4  }
0xac: {  	[tilespmem:$0x1F950] =	vst v62;
	v62 =	vld [tilespmem:s9+$0x8080];
	_ =	sdelay $0x4  }
0xad: {  	[tilespmem:$0x1F960] =	vst v62;
	v62 =	vld [tilespmem:s9+$0x8100];
	_ =	sdelay $0x4  }
0xae: {  	[tilespmem:$0x1F970] =	vst v62;
	v62 =	vld [tilespmem:s9+$0x8180];
	_ =	sdelay $0x4  }
0xaf: {  	[tilespmem:$0x1F980] =	vst v62;
	v62 =	vld [tilespmem:s9+$0x8200];
	_ =	sdelay $0x4  }
0xb0: {  	[tilespmem:$0x1F990] =	vst v62;
	v62 =	vld [tilespmem:s9+$0x8280];
	_ =	sdelay $0x4  }
0xb1: {  	[tilespmem:$0x1F9A0] =	vst v62;
	v62 =	vld [tilespmem:s9+$0x8300];
	_ =	sdelay $0x3  }
0xb2: {  	v7 =	vld [tilespmem:s16+$0x0]  }
0xb3: {  	[tilespmem:$0x1F9B0] =	vst v62;
	v62 =	vld [tilespmem:s9+$0x8380]  }
0xb4: {  	v1 =	vld [tilespmem:s17+$0x80]  }
0xb5: {  	v2 =	vld [tilespmem:s17+$0x100]  }
0xb6: {  	v3 =	vld [tilespmem:s17+$0x180]  }
0xb7: {  	v8 =	vld [tilespmem:s17+$0x7300]  }
0xb8: {  	[tilespmem:$0x1F9C0] =	vst v62;
	v62 =	vld [tilespmem:s9+$0x9000]  }
0xb9: {  	v4 =	vld [tilespmem:s17+$0x1000]  }
0xba: {  	v9 =	vld [tilespmem:s17+$0x1100]  }
0xbb: {  	v10 =	vld [tilespmem:s17+$0x1200]  }
0xbc: {  	[tilespmem:$0x1F300] =	vst v8;
	v8 =	vld [tilespmem:s17+$0x8000]  }
0xbd: {  	[tilespmem:$0x1F9D0] =	vst v62;
	v62 =	vld [tilespmem:s9+$0x9080]  }
0xbe: {  	v11 =	vld [tilespmem:s17+$0x1280]  }
0xbf: {  	v12 =	vld [tilespmem:s17+$0x1300]  }
0xc0: {  	v13 =	vld [tilespmem:s17+$0x1380]  }
0xc1: {  	[tilespmem:$0x1F320] =	vst v8;
	v8 =	vld [tilespmem:s17+$0x8100]  }
0xc2: {  	[tilespmem:$0x1F9E0] =	vst v62;
	v62 =	vld [tilespmem:s9+$0x9100]  }
0xc3: {  	v14 =	vld [tilespmem:s17+$0x2000]  }
0xc4: {  	v15 =	vld [tilespmem:s17+$0x2080]  }
0xc5: {  	v16 =	vld [tilespmem:s17+$0x2100]  }
0xc6: {  	[tilespmem:$0x1F340] =	vst v8;
	v8 =	vld [tilespmem:s17+$0x8200]  }
0xc7: {  	[tilespmem:$0x1F9F0] =	vst v62;
	v62 =	vld [tilespmem:s9+$0x9180]  }
0xc8: {  	v17 =	vld [tilespmem:s17+$0x2180]  }
0xc9: {  	v18 =	vld [tilespmem:s17+$0x2200]  }
0xca: {  	v19 =	vld [tilespmem:s17+$0x2280]  }
0xcb: {  	[tilespmem:$0x1F360] =	vst v8;
	v8 =	vld [tilespmem:s17+$0x8300]  }
0xcc: {  	[tilespmem:$0x1FA00] =	vst v62;
	v62 =	vld [tilespmem:s9+$0x9200]  }
0xcd: {  	v20 =	vld [tilespmem:s17+$0x2300]  }
0xce: {  	v21 =	vld [tilespmem:s17+$0x2380]  }
0xcf: {  	v22 =	vld [tilespmem:s17+$0x3000]  }
0xd0: {  	[tilespmem:$0x1F380] =	vst v8;
	v8 =	vld [tilespmem:s17+$0x9000]  }
0xd1: {  	[tilespmem:$0x1FA10] =	vst v62;
	v62 =	vld [tilespmem:s9+$0x9280]  }
0xd2: {  	v23 =	vld [tilespmem:s17+$0x3080]  }
0xd3: {  	v24 =	vld [tilespmem:s17+$0x3100]  }
0xd4: {  	v25 =	vld [tilespmem:s17+$0x3180]  }
0xd5: {  	[tilespmem:$0x1F3A0] =	vst v8;
	v8 =	vld [tilespmem:s17+$0x9100]  }
0xd6: {  	[tilespmem:$0x1FA20] =	vst v62;
	v62 =	vld [tilespmem:s9+$0x9300]  }
0xd7: {  	v26 =	vld [tilespmem:s17+$0x3200]  }
0xd8: {  	v27 =	vld [tilespmem:s17+$0x3280]  }
0xd9: {  	v28 =	vld [tilespmem:s17+$0x3300]  }
0xda: {  	[tilespmem:$0x1F3C0] =	vst v8;
	v8 =	vld [tilespmem:s17+$0x9200]  }
0xdb: {  	[tilespmem:$0x1FA30] =	vst v62;
	v62 =	vld [tilespmem:s9+$0x9380]  }
0xdc: {  	v29 =	vld [tilespmem:s17+$0x3380]  }
0xdd: {  	v30 =	vld [tilespmem:s17+$0x4000]  }
0xde: {  	v31 =	vld [tilespmem:s17+$0x4080]  }
0xdf: {  	[tilespmem:$0x1F3E0] =	vst v8;
	v8 =	vld [tilespmem:s17+$0x9300]  }
0xe0: {  	[tilespmem:$0x1FA40] =	vst v62;
	v62 =	vld [tilespmem:s9+$0xA000]  }
0xe1: {  	v32 =	vld [tilespmem:s17+$0x4100]  }
0xe2: {  	v33 =	vld [tilespmem:s17+$0x4180]  }
0xe3: {  	v34 =	vld [tilespmem:s17+$0x4200]  }
0xe4: {  	[tilespmem:$0x1F400] =	vst v8;
	v8 =	vld [tilespmem:s17+$0xA000]  }
0xe5: {  	[tilespmem:$0x1FA50] =	vst v62;
	v62 =	vld [tilespmem:s9+$0xA080]  }
0xe6: {  	v35 =	vld [tilespmem:s17+$0x4280]  }
0xe7: {  	v38 =	vld [tilespmem:s17+$0x4300]  }
0xe8: {  	v37 =	vld [tilespmem:s17+$0x4380]  }
0xe9: {  	[tilespmem:$0x1F420] =	vst v8;
	v8 =	vld [tilespmem:s17+$0xA100]  }
0xea: {  	[tilespmem:$0x1FA60] =	vst v62;
	v62 =	vld [tilespmem:s9+$0xA100]  }
0xeb: {  	v40 =	vld [tilespmem:s17+$0x5000]  }
0xec: {  	v39 =	vld [tilespmem:s17+$0x5080]  }
0xed: {  	v43 =	vld [tilespmem:s17+$0x5100]  }
0xee: {  	[tilespmem:$0x1F440] =	vst v8;
	v8 =	vld [tilespmem:s17+$0xA200]  }
0xef: {  	[tilespmem:$0x1FA70] =	vst v62;
	v62 =	vld [tilespmem:s9+$0xA180]  }
0xf0: {  	v41 =	vld [tilespmem:s17+$0x5180]  }
0xf1: {  	v44 =	vld [tilespmem:s17+$0x5200]  }
0xf2: {  	v45 =	vld [tilespmem:s17+$0x5280]  }
0xf3: {  	[tilespmem:$0x1F460] =	vst v8;
	v8 =	vld [tilespmem:s17+$0xA300]  }
0xf4: {  	[tilespmem:$0x1FA80] =	vst v62;
	v62 =	vld [tilespmem:s9+$0xA200]  }
0xf5: {  	v46 =	vld [tilespmem:s17+$0x5300]  }
0xf6: {  	v47 =	vld [tilespmem:s17+$0x5380]  }
0xf7: {  	v50 =	vld [tilespmem:s17+$0x6000]  }
0xf8: {  	[tilespmem:$0x1F480] =	vst v8;
	v8 =	vld [tilespmem:s17+$0xB000]  }
0xf9: {  	[tilespmem:$0x1FA90] =	vst v62;
	v62 =	vld [tilespmem:s9+$0xA280]  }
0xfa: {  	v49 =	vld [tilespmem:s17+$0x6080]  }
0xfb: {  	v52 =	vld [tilespmem:s17+$0x6100]  }
0xfc: {  	v51 =	vld [tilespmem:s17+$0x6180]  }
0xfd: {  	[tilespmem:$0x1F4A0] =	vst v8;
	v8 =	vld [tilespmem:s17+$0xB100]  }
0xfe: {  	[tilespmem:$0x1FAA0] =	vst v62;
	v62 =	vld [tilespmem:s9+$0xA300]  }
0xff: {  	v55 =	vld [tilespmem:s17+$0x6200]  }
0x100: {  	v53 =	vld [tilespmem:s17+$0x6280]  }
0x101: {  	v56 =	vld [tilespmem:s17+$0x6300]  }
0x102: {  	[tilespmem:$0x1F4C0] =	vst v8;
	v8 =	vld [tilespmem:s17+$0xB200]  }
0x103: {  	[tilespmem:$0x1FAB0] =	vst v62;
	v62 =	vld [tilespmem:s9+$0xA380]  }
0x104: {  	v57 =	vld [tilespmem:s17+$0x6380]  }
0x105: {  	v58 =	vld [tilespmem:s17+$0x7000]  }
0x106: {  	v5 =	vld [tilespmem:s17+$0x7200]  }
0x107: {  	[tilespmem:$0x1F4E0] =	vst v8;
	v8 =	vld [tilespmem:s17+$0xB300]  }
0x108: {  	[tilespmem:$0x1FAC0] =	vst v62;
	v62 =	vld [tilespmem:s9+$0xB000]  }
0x109: {  	v59 =	vld [tilespmem:s17+$0x7080]  }
0x10a: {  	v60 =	vld [tilespmem:s17+$0x7100];
	[tilespmem:$0x1F5B0] =	vst v0  }
0x10b: {  	[tilespmem:$0x1F2F0] =	vst v5;
	v5 =	vld [tilespmem:s17+$0xB380]  }
0x10c: {  	[tilespmem:$0x1F500] =	vst v8;
	v8 =	vld [tilespmem:s17+$0xC000]  }
0x10d: {  	[tilespmem:$0x1FAD0] =	vst v62;
	v62 =	vld [tilespmem:s9+$0xB080]  }
0x10e: {  	v61 =	vld [tilespmem:s17+$0x7180];
	[tilespmem:$0x1FBE0] =	vst v6  }
0x10f: {  	v0 =	vld [tilespmem:s17+$0x0];
	[tilespmem:$0x1FFB0] =	vst v7  }
0x110: {  	v63 =	vld [tilespmem:s17+$0x7280];
	[tilespmem:$0x1FFC0] =	vst v5  }
0x111: {  	v6 =	vld [tilespmem:s17+$0x1080];
	[tilespmem:$0x1F510] =	vst v8  }
0x112: {  	v7 =	vld [tilespmem:s17+$0x1180];
	[tilespmem:$0x1FAE0] =	vst v62  }
0x113: {  	s13 =	sand.u32 $0xC00, s13;
	v8 =	vld [tilespmem:s9+$0xB100]  }
0x114: {  	s10 =	sadd.s32 s10, s13;
	v0 =	vadd.f32 v54, v0;
	v62 =	vld [tilespmem:s9+$0xB180]  }
0x115: {  	v2 =	vadd.f32 v42, v2;
	v3 =	vadd.f32 v36, v3;
	v36 =	vld [tilespmem:s10+$0x1080]  }
0x116: {  	v1 =	vadd.f32 v48, v1;
	v0 =	vadd.f32 v4, v0;
	v42 =	vld [tilespmem:s10+$0x1100]  }
0x117: {  	v2 =	vadd.f32 v9, v2;
	v3 =	vadd.f32 v7, v3;
	v9 =	vld [tilespmem:s10+$0x1180]  }
0x118: {  	v1 =	vadd.f32 v6, v1;
	v0 =	vadd.f32 v10, v0;
	v10 =	vld [tilespmem:s10+$0x1200]  }
0x119: {  	v2 =	vadd.f32 v12, v2;
	v3 =	vadd.f32 v13, v3;
	v12 =	vld [tilespmem:s10+$0x1280]  }
0x11a: {  	v1 =	vadd.f32 v11, v1;
	v13 =	vld [tilespmem:s10+$0x1300]  }
0x11b: {  	v0 =	vadd.f32 v14, v0;
	v3 =	vadd.f32 v17, v3;
	v14 =	vld [tilespmem:s10+$0x1380]  }
0x11c: {  	v1 =	vadd.f32 v15, v1;
	v15 =	vld [tilespmem:s10+$0x2000]  }
0x11d: {  	v2 =	vadd.f32 v16, v2;
	v3 =	vadd.f32 v21, v3;
	v16 =	vld [tilespmem:s10+$0x2080]  }
0x11e: {  	v0 =	vadd.f32 v18, v0;
	v18 =	vld [tilespmem:s10+$0x2100]  }
0x11f: {  	v1 =	vadd.f32 v19, v1;
	v3 =	vadd.f32 v25, v3;
	v19 =	vld [tilespmem:s10+$0x2180]  }
0x120: {  	v2 =	vadd.f32 v20, v2;
	v20 =	vld [tilespmem:s10+$0x2200]  }
0x121: {  	v3 =	vadd.f32 v29, v3;
	v21 =	vld [tilespmem:s10+$0x2280]  }
0x122: {  	v0 =	vadd.f32 v22, v0;
	v22 =	vld [tilespmem:s10+$0x2300]  }
0x123: {  	v1 =	vadd.f32 v23, v1;
	v3 =	vadd.f32 v33, v3;
	v23 =	vld [tilespmem:s10+$0x2380]  }
0x124: {  	v2 =	vadd.f32 v24, v2;
	v24 =	vld [tilespmem:s10+$0x3000]  }
0x125: {  	v3 =	vadd.f32 v37, v3;
	v25 =	vld [tilespmem:s10+$0x3080]  }
0x126: {  	v2 =	vadd.f32 v28, v2;
	v0 =	vadd.f32 v26, v0;
	v26 =	vld [tilespmem:s10+$0x3100]  }
0x127: {  	v1 =	vadd.f32 v27, v1;
	v3 =	vsub.f32 v3, v41;
	v27 =	vld [tilespmem:s10+$0x3180]  }
0x128: {  	v0 =	vadd.f32 v30, v0;
	v28 =	vld [tilespmem:s10+$0x3200]  }
0x129: {  	v2 =	vadd.f32 v32, v2;
	v3 =	vsub.f32 v3, v47;
	v29 =	vld [tilespmem:s10+$0x3280]  }
0x12a: {  	v1 =	vadd.f32 v31, v1;
	v0 =	vadd.f32 v34, v0;
	v30 =	vld [tilespmem:s10+$0x3300]  }
0x12b: {  	v2 =	vadd.f32 v38, v2;
	v3 =	vsub.f32 v3, v51;
	v31 =	vld [tilespmem:s10+$0x3380]  }
0x12c: {  	v1 =	vadd.f32 v35, v1;
	v0 =	vsub.f32 v0, v40;
	v41 =	vld [tilespmem:s10+$0x4000]  }
0x12d: {  	v2 =	vsub.f32 v2, v43;
	v3 =	vsub.f32 v3, v57;
	v43 =	vld [tilespmem:s10+$0x4080]  }
0x12e: {  	v1 =	vsub.f32 v1, v39;
	v0 =	vsub.f32 v0, v44;
	v44 =	vld [tilespmem:s10+$0x4100]  }
0x12f: {  	v3 =	vsub.f32 v3, v61;
	v61 =	vld [tilespmem:s10+$0x4180]  }
0x130: {  	v1 =	vsub.f32 v1, v45;
	v45 =	vld [tilespmem:$0x1F2F0]  }
0x131: {  	v2 =	vsub.f32 v2, v46;
	v46 =	vld [tilespmem:s10+$0x4200]  }
0x132: {  	v47 =	vld [tilespmem:$0x1F300]  }
0x133: {  	v48 =	vld [tilespmem:$0x1F310]  }
0x134: {  	v1 =	vsub.f32 v1, v49;
	v49 =	vld [tilespmem:s10+$0x4280]  }
0x135: {  	v0 =	vsub.f32 v0, v50;
	v50 =	vld [tilespmem:$0x1F320]  }
0x136: {  	v51 =	vld [tilespmem:$0x1F330]  }
0x137: {  	v2 =	vsub.f32 v2, v52;
	v52 =	vld [tilespmem:s10+$0x4300]  }
0x138: {  	v1 =	vsub.f32 v1, v53;
	v53 =	vld [tilespmem:$0x1F340]  }
0x139: {  	v54 =	vld [tilespmem:$0x1F350]  }
0x13a: {  	v0 =	vsub.f32 v0, v55;
	v55 =	vld [tilespmem:s10+$0x4380]  }
0x13b: {  	v2 =	vsub.f32 v2, v56;
	v56 =	vld [tilespmem:$0x1F360]  }
0x13c: {  	v57 =	vld [tilespmem:$0x1F370]  }
0x13d: {  	v0 =	vsub.f32 v0, v58;
	v58 =	vld [tilespmem:s10+$0x5000]  }
0x13e: {  	v1 =	vsub.f32 v1, v59;
	v59 =	vld [tilespmem:$0x1F380]  }
0x13f: {  	v2 =	vsub.f32 v2, v60;
	v60 =	vld [tilespmem:$0x1F390]  }
0x140: {  	v1 =	vsub.f32 v1, v63;
	v63 =	vld [tilespmem:$0x1F3A0]  }
0x141: {  	v11 =	vld [tilespmem:$0x1F3B0]  }
0x142: {  	v17 =	vld [tilespmem:s10+$0x5100]  }
0x143: {  	v32 =	vld [tilespmem:$0x1F3C0]  }
0x144: {  	v33 =	vld [tilespmem:$0x1F3D0]  }
0x145: {  	v34 =	vld [tilespmem:s10+$0x5180]  }
0x146: {  	v35 =	vld [tilespmem:$0x1F3E0]  }
0x147: {  	v37 =	vld [tilespmem:$0x1F3F0]  }
0x148: {  	v38 =	vld [tilespmem:s10+$0x5200]  }
0x149: {  	v39 =	vld [tilespmem:$0x1F400]  }
0x14a: {  	v40 =	vld [tilespmem:$0x1F410]  }
0x14b: {  	v7 =	vld [tilespmem:s10+$0x6200]  }
0x14c: {  	[tilespmem:$0x1FB00] =	vst v62;
	v62 =	vld [tilespmem:s9+$0xB200]  }
0x14d: {  	[tilespmem:$0x1FAF0] =	vst v8;
	v8 =	vld [tilespmem:s9+$0xB380]  }
0x14e: {  	[tilespmem:$0x1FC10] =	vst v41;
	v41 =	vld [tilespmem:s10+$0x5280]  }
0x14f: {  	[tilespmem:$0x1FC20] =	vst v43;
	v43 =	vld [tilespmem:$0x1F420]  }
0x150: {  	[tilespmem:$0x1FC30] =	vst v44;
	v44 =	vld [tilespmem:$0x1F430]  }
0x151: {  	v0 =	vsub.f32 v0, v45;
	v45 =	vld [tilespmem:s10+$0x5300]  }
0x152: {  	[tilespmem:$0x1FC40] =	vst v46;
	v46 =	vld [tilespmem:$0x1F440]  }
0x153: {  	v2 =	vsub.f32 v2, v47;
	v47 =	vld [tilespmem:$0x1F450]  }
0x154: {  	v3 =	vsub.f32 v3, v48;
	v48 =	vld [tilespmem:s10+$0x5380]  }
0x155: {  	[tilespmem:$0x1FC50] =	vst v49;
	v49 =	vld [tilespmem:$0x1F460]  }
0x156: {  	v1 =	vsub.f32 v1, v51;
	v51 =	vld [tilespmem:s10+$0x6000]  }
0x157: {  	[tilespmem:$0x1FC60] =	vst v52;
	v52 =	vld [tilespmem:$0x1F480]  }
0x158: {  	[tilespmem:$0x1FC70] =	vst v55;
	v55 =	vld [tilespmem:$0x1F4A0]  }
0x159: {  	[tilespmem:$0x1FC80] =	vst v58;
	v58 =	vld [tilespmem:$0x1F4C0]  }
0x15a: {  	[tilespmem:$0x1FCA0] =	vst v17;
	v17 =	vld [tilespmem:s10+$0x6280]  }
0x15b: {  	[tilespmem:$0x1FCB0] =	vst v34;
	v34 =	vld [tilespmem:s10+$0x6300]  }
0x15c: {  	[tilespmem:$0x1FCC0] =	vst v38;
	v38 =	vld [tilespmem:s10+$0x6380]  }
0x15d: {  	v0 =	vsub.f32 v0, v50;
	v50 =	vld [tilespmem:$0x1F470]  }
0x15e: {  	v2 =	vsub.f32 v2, v53;
	v53 =	vld [tilespmem:$0x1F490]  }
0x15f: {  	v3 =	vsub.f32 v3, v54;
	v54 =	vld [tilespmem:s10+$0x6080]  }
0x160: {  	v1 =	vsub.f32 v1, v57;
	v57 =	vld [tilespmem:s10+$0x6100]  }
0x161: {  	v0 =	vsub.f32 v0, v56;
	v56 =	vld [tilespmem:$0x1F4B0]  }
0x162: {  	v2 =	vsub.f32 v2, v59;
	v59 =	vld [tilespmem:$0x1F4D0]  }
0x163: {  	v3 =	vsub.f32 v3, v60;
	v60 =	vld [tilespmem:s10+$0x6180]  }
0x164: {  	v1 =	vsub.f32 v1, v11;
	v11 =	vld [tilespmem:$0x1F500]  }
0x165: {  	[tilespmem:$0x1FB10] =	vst v62;
	v62 =	vld [tilespmem:s9+$0xB280]  }
0x166: {  	[tilespmem:$0x1FCD0] =	vst v41;
	v41 =	vld [tilespmem:$0x1F570]  }
0x167: {  	[tilespmem:$0x1FCE0] =	vst v45;
	v45 =	vld [tilespmem:$0x1F590]  }
0x168: {  	[tilespmem:$0x1FCF0] =	vst v48;
	v48 =	vld [tilespmem:$0x1F5C0]  }
0x169: {  	[tilespmem:$0x1FD00] =	vst v51;
	v51 =	vld [tilespmem:$0x1F5E0]  }
0x16a: {  	[tilespmem:$0x1FD50] =	vst v17;
	v17 =	vld [tilespmem:$0x1F660]  }
0x16b: {  	[tilespmem:$0x1FD60] =	vst v34;
	v34 =	vld [tilespmem:$0x1F680]  }
0x16c: {  	[tilespmem:$0x1FD70] =	vst v38;
	v38 =	vld [tilespmem:$0x1F6A0]  }
0x16d: {  	v0 =	vsub.f32 v0, v63;
	v63 =	vld [tilespmem:$0x1F4F0]  }
0x16e: {  	v2 =	vsub.f32 v2, v32;
	v32 =	vld [tilespmem:$0x1F510]  }
0x16f: {  	v3 =	vsub.f32 v3, v33;
	v33 =	vld [tilespmem:$0x1F520]  }
0x170: {  	v1 =	vsub.f32 v1, v37;
	v37 =	vld [tilespmem:$0x1F540]  }
0x171: {  	[tilespmem:$0x1FD10] =	vst v54;
	v54 =	vld [tilespmem:$0x1F600]  }
0x172: {  	[tilespmem:$0x1FD20] =	vst v57;
	v57 =	vld [tilespmem:$0x1F620]  }
0x173: {  	v0 =	vsub.f32 v0, v35;
	v35 =	vld [tilespmem:$0x1F530]  }
0x174: {  	v2 =	vsub.f32 v2, v39;
	v39 =	vld [tilespmem:$0x1F550]  }
0x175: {  	v3 =	vsub.f32 v3, v40;
	v40 =	vld [tilespmem:$0x1F560]  }
0x176: {  	v1 =	vsub.f32 v1, v44;
	v44 =	vld [tilespmem:s10+$0x7000]  }
0x177: {  	[tilespmem:$0x1FD30] =	vst v60;
	v60 =	vld [tilespmem:$0x1F640]  }
0x178: {  	[tilespmem:$0x1FB20] =	vst v62;
	v62 =	vld [tilespmem:s9+$0xB300]  }
0x179: {  	v0 =	vsub.f32 v0, v43;
	v43 =	vld [tilespmem:$0x1F580]  }
0x17a: {  	v2 =	vsub.f32 v2, v46;
	v46 =	vld [tilespmem:$0x1F5A0]  }
0x17b: {  	v3 =	vsub.f32 v3, v47;
	v47 =	vld [tilespmem:$0x1F5B0]  }
0x17c: {  	v1 =	vsub.f32 v1, v50;
	v50 =	vld [tilespmem:$0x1F5D0]  }
0x17d: {  	v0 =	vsub.f32 v0, v49;
	v49 =	vld [tilespmem:s10+$0x7080]  }
0x17e: {  	v2 =	vsub.f32 v2, v52;
	v52 =	vld [tilespmem:s10+$0x7100]  }
0x17f: {  	v3 =	vsub.f32 v3, v53;
	v53 =	vld [tilespmem:$0x1F5F0]  }
0x180: {  	v1 =	vsub.f32 v1, v56;
	v56 =	vld [tilespmem:$0x1F610]  }
0x181: {  	[tilespmem:$0x1FD80] =	vst v44;
	v44 =	vld [tilespmem:$0x1F6D0]  }
0x182: {  	v0 =	vsub.f32 v0, v55;
	v55 =	vld [tilespmem:s10+$0x7180]  }
0x183: {  	v2 =	vsub.f32 v2, v58;
	v58 =	vld [tilespmem:s10+$0x7200]  }
0x184: {  	v3 =	vsub.f32 v3, v59;
	v59 =	vld [tilespmem:$0x1F630]  }
0x185: {  	v4 =	vsub.f32 v1, v63;
	v63 =	vld [tilespmem:$0x1F650]  }
0x186: {  	[tilespmem:$0x1FB30] =	vst v62;
	v62 =	vld [tilespmem:s9+$0xC000]  }
0x187: {  	v6 =	vadd.f32 v46, v45;
	v45 =	vld [tilespmem:$0x1F6E0]  }
0x188: {  	v46 =	vld [tilespmem:s10+$0x8100]  }
0x189: {  	[tilespmem:$0x1FD40] =	vst v7;
	v7 =	vadd.f32 v47, v48;
	v47 =	vld [tilespmem:$0x1F6F0]  }
0x18a: {  	v48 =	vld [tilespmem:$0x1F700]  }
0x18b: {  	v3 =	vsub.f32 v3, v5;
	v5 =	vadd.f32 v43, v41;
	v41 =	vld [tilespmem:$0x1F6C0]  }
0x18c: {  	v43 =	vld [tilespmem:s10+$0x8080]  }
0x18d: {  	[tilespmem:$0x1FD90] =	vst v49;
	v49 =	vld [tilespmem:s10+$0x8180]  }
0x18e: {  	[tilespmem:$0x1FDA0] =	vst v52;
	v52 =	vld [tilespmem:s10+$0x8200]  }
0x18f: {  	v2 =	vsub.f32 v2, v11;
	v6 =	vadd.f32 v53, v6;
	v53 =	vld [tilespmem:$0x1F730]  }
0x190: {  	v7 =	vadd.f32 v54, v7;
	v54 =	vld [tilespmem:$0x1F740]  }
0x191: {  	v2 =	vsub.f32 v2, v35;
	v35 =	vld [tilespmem:s10+$0x7380]  }
0x192: {  	v3 =	vsub.f32 v3, v37;
	v37 =	vld [tilespmem:$0x1F690]  }
0x193: {  	v5 =	vadd.f32 v51, v5;
	v51 =	vld [tilespmem:$0x1F720]  }
0x194: {  	[tilespmem:$0x1FDB0] =	vst v55;
	v55 =	vld [tilespmem:s10+$0x8280]  }
0x195: {  	[tilespmem:$0x1FDC0] =	vst v58;
	v58 =	vld [tilespmem:s10+$0x8300]  }
0x196: {  	v6 =	vadd.f32 v59, v6;
	v59 =	vld [tilespmem:$0x1F770]  }
0x197: {  	[tilespmem:$0x1FB40] =	vst v62;
	v62 =	vld [tilespmem:s9+$0xC080]  }
0x198: {  	v7 =	vadd.f32 v60, v7;
	v60 =	vld [tilespmem:$0x1F780]  }
0x199: {  	v5 =	vadd.f32 v57, v5;
	v57 =	vld [tilespmem:$0x1F760]  }
0x19a: {  	[tilespmem:$0x1FE20] =	vst v46;
	v46 =	vld [tilespmem:s10+$0x9200]  }
0x19b: {  	v7 =	vadd.f32 v34, v7;
	v34 =	vld [tilespmem:$0x1F7C0]  }
0x19c: {  	[tilespmem:$0x1FB50] =	vst v62;
	v62 =	vld [tilespmem:s9+$0xC100]  }
0x19d: {  	[tilespmem:$0x1FE10] =	vst v43;
	v43 =	vld [tilespmem:s10+$0x9180]  }
0x19e: {  	v5 =	vadd.f32 v17, v5;
	v17 =	vld [tilespmem:$0x1F7A0]  }
0x19f: {  	[tilespmem:$0x1FE30] =	vst v49;
	v49 =	vld [tilespmem:s10+$0x9280]  }
0x1a0: {  	[tilespmem:$0x1FE40] =	vst v52;
	v52 =	vld [tilespmem:s10+$0x9300]  }
0x1a1: {  	[tilespmem:$0x1FB60] =	vst v62;
	v62 =	vld [tilespmem:s9+$0xC180]  }
0x1a2: {  	[tilespmem:$0x1FDF0] =	vst v35;
	v35 =	vld [tilespmem:s10+$0x9080]  }
0x1a3: {  	v7 =	vadd.f32 v41, v7;
	v41 =	vld [tilespmem:$0x1F800]  }
0x1a4: {  	v5 =	vadd.f32 v38, v5;
	v38 =	vld [tilespmem:$0x1F7E0]  }
0x1a5: {  	[tilespmem:$0x1FE50] =	vst v55;
	v55 =	vld [tilespmem:s10+$0x9380]  }
0x1a6: {  	[tilespmem:$0x1FB70] =	vst v62;
	v62 =	vld [tilespmem:s10+$0x0]  }
0x1a7: {  	[tilespmem:$0x1FE60] =	vst v58;
	v58 =	vld [tilespmem:s10+$0xA000]  }
0x1a8: {  	v7 =	vadd.f32 v48, v7;
	v48 =	vld [tilespmem:$0x1F840]  }
0x1a9: {  	[tilespmem:$0x1FEC0] =	vst v46;
	v46 =	vld [tilespmem:s10+$0xA300]  }
0x1aa: {  	v5 =	vadd.f32 v45, v5;
	v45 =	vld [tilespmem:$0x1F820]  }
0x1ab: {  	[tilespmem:$0x1FB80] =	vst v62;
	v62 =	vld [tilespmem:s10+$0x80]  }
0x1ac: {  	[tilespmem:$0x1FEB0] =	vst v43;
	v43 =	vld [tilespmem:s10+$0xA280]  }
0x1ad: {  	v7 =	vadd.f32 v54, v7;
	v54 =	vld [tilespmem:$0x1F880]  }
0x1ae: {  	[tilespmem:$0x1FED0] =	vst v49;
	v49 =	vld [tilespmem:s10+$0xA380]  }
0x1af: {  	[tilespmem:$0x1FEE0] =	vst v52;
	v52 =	vld [tilespmem:s10+$0xB000]  }
0x1b0: {  	[tilespmem:$0x1FBA0] =	vst v62;
	v62 =	vld [tilespmem:s10+$0x100]  }
0x1b1: {  	v5 =	vadd.f32 v51, v5;
	v51 =	vld [tilespmem:$0x1F860]  }
0x1b2: {  	[tilespmem:$0x1FE90] =	vst v35;
	v35 =	vld [tilespmem:s10+$0xA180]  }
0x1b3: {  	v7 =	vadd.f32 v60, v7;
	v60 =	vld [tilespmem:$0x1F8C0]  }
0x1b4: {  	[tilespmem:$0x1FEF0] =	vst v55;
	v55 =	vld [tilespmem:s10+$0xB080]  }
0x1b5: {  	[tilespmem:$0x1FBC0] =	vst v62;
	v62 =	vld [tilespmem:s10+$0x180]  }
0x1b6: {  	[tilespmem:$0x1FF00] =	vst v58;
	v58 =	vld [tilespmem:$0x1F9F0]  }
0x1b7: {  	v5 =	vadd.f32 v57, v5;
	v57 =	vld [tilespmem:$0x1F8A0]  }
0x1b8: {  	[tilespmem:$0x1FF60] =	vst v46;
	v46 =	vld [tilespmem:$0x1FB00]  }
0x1b9: {  	v7 =	vadd.f32 v34, v7;
	v34 =	vld [tilespmem:$0x1F900]  }
0x1ba: {  	[tilespmem:$0x1FBF0] =	vst v62;
	v62 =	vld [tilespmem:s10+$0x200]  }
0x1bb: {  	[tilespmem:$0x1FF50] =	vst v43;
	v43 =	vld [tilespmem:$0x1FAD0]  }
0x1bc: {  	s12 =	sand.u32 $0xC00, s12;
	v5 =	vadd.f32 v17, v5;
	v17 =	vld [tilespmem:$0x1F8E0]  }
0x1bd: {  	s11 =	sadd.s32 s11, s12;
	[tilespmem:$0x1FF70] =	vst v49;
	v49 =	vld [tilespmem:$0x1FB30]  }
0x1be: {  	[tilespmem:$0x1FF80] =	vst v52;
	v52 =	vld [tilespmem:s11+$0x80]  }
0x1bf: {  	[tilespmem:$0x1FB90] =	vst v62;
	v62 =	vld [tilespmem:s10+$0x280]  }
0x1c0: {  	v7 =	vsub.f32 v7, v41;
	v41 =	vld [tilespmem:$0x1F940]  }
0x1c1: {  	[tilespmem:$0x1FF30] =	vst v35;
	v35 =	vld [tilespmem:$0x1FA80]  }
0x1c2: {  	v5 =	vsub.f32 v5, v38;
	v38 =	vld [tilespmem:$0x1F920]  }
0x1c3: {  	[tilespmem:$0x1FF90] =	vst v55;
	v55 =	vld [tilespmem:s10+$0xB180]  }
0x1c4: {  	[tilespmem:$0x1FBB0] =	vst v62;
	v62 =	vld [tilespmem:s10+$0x300]  }
0x1c5: {  	v7 =	vsub.f32 v7, v48;
	v48 =	vld [tilespmem:$0x1F980]  }
0x1c6: {  	v5 =	vsub.f32 v5, v45;
	v45 =	vld [tilespmem:$0x1F960]  }
0x1c7: {  	v7 =	vsub.f32 v7, v54;
	v54 =	vld [tilespmem:$0x1F9C0]  }
0x1c8: {  	v5 =	vsub.f32 v5, v51;
	v51 =	vld [tilespmem:$0x1F9A0]  }
0x1c9: {  	[tilespmem:$0x1FBD0] =	vst v62;
	v62 =	vld [tilespmem:s10+$0x1000]  }
0x1ca: {  	v7 =	vsub.f32 v7, v60;
	v60 =	vld [tilespmem:$0x1FA10]  }
0x1cb: {  	v5 =	vsub.f32 v5, v57;
	v57 =	vld [tilespmem:$0x1F9E0]  }
0x1cc: {  	v7 =	vsub.f32 v7, v34;
	v34 =	vld [tilespmem:$0x1FA70]  }
0x1cd: {  	v5 =	vsub.f32 v5, v17;
	v17 =	vld [tilespmem:$0x1FA40]  }
0x1ce: {  	[tilespmem:$0x1FC00] =	vst v62;
	v62 =	vld [tilespmem:s10+$0x5080]  }
0x1cf: {  	v7 =	vsub.f32 v7, v41;
	v41 =	vld [tilespmem:s10+$0xC080]  }
0x1d0: {  	v5 =	vsub.f32 v5, v38;
	v38 =	vld [tilespmem:$0x1FAA0]  }
0x1d1: {  	v7 =	vsub.f32 v7, v48;
	v48 =	vld [tilespmem:$0x1FB20]  }
0x1d2: {  	v5 =	vsub.f32 v5, v45;
	v45 =	vld [tilespmem:$0x1FAF0]  }
0x1d3: {  	[tilespmem:$0x1FC90] =	vst v62;
	v62 =	vld [tilespmem:$0x1F4E0]  }
0x1d4: {  	v7 =	vsub.f32 v7, v54;
	v54 =	vld [tilespmem:s10+$0xC180];
	v5 =	vsub.f32 v5, v51  }
0x1d5: {  	v51 =	vld [tilespmem:$0x1FB50]  }
0x1d6: {  	v5 =	vsub.f32 v5, v57;
	v57 =	vld [tilespmem:s10+$0xB200]  }
0x1d7: {  	[tilespmem:$0x1FFA0] =	vst v41;
	v41 =	vld [tilespmem:$0x1FBB0]  }
0x1d8: {  	v11 =	vld [tilespmem:$0x1FC00];
	v0 =	vsub.f32 v0, v62  }
0x1d9: {  	v62 =	vld [tilespmem:s10+$0x7280]  }
0x1da: {  	v1 =	vsub.f32 v0, v32;
	v32 =	vld [tilespmem:s10+$0x7300]  }
0x1db: {  	v0 =	vsub.f32 v4, v33;
	v33 =	vld [tilespmem:$0x1F670]  }
0x1dc: {  	v4 =	vadd.f32 v40, v39;
	v39 =	vld [tilespmem:s10+$0x8000]  }
0x1dd: {  	v40 =	vld [tilespmem:$0x1F6B0]  }
0x1de: {  	v4 =	vadd.f32 v50, v4;
	v50 =	vld [tilespmem:$0x1F710]  }
0x1df: {  	[tilespmem:$0x1FDD0] =	vst v62;
	v62 =	vld [tilespmem:s10+$0x8380]  }
0x1e0: {  	v4 =	vadd.f32 v56, v4;
	v56 =	vld [tilespmem:$0x1F750]  }
0x1e1: {  	[tilespmem:$0x1FDE0] =	vst v32;
	v32 =	vld [tilespmem:s10+$0x9000]  }
0x1e2: {  	v6 =	vadd.f32 v33, v6;
	v33 =	vld [tilespmem:$0x1F7B0]  }
0x1e3: {  	[tilespmem:$0x1FE00] =	vst v39;
	v39 =	vld [tilespmem:s10+$0x9100]  }
0x1e4: {  	v4 =	vadd.f32 v63, v4;
	v63 =	vld [tilespmem:$0x1F790]  }
0x1e5: {  	v6 =	vadd.f32 v40, v6;
	v40 =	vld [tilespmem:$0x1F7F0]  }
0x1e6: {  	v4 =	vadd.f32 v37, v4;
	v37 =	vld [tilespmem:$0x1F7D0]  }
0x1e7: {  	[tilespmem:$0x1FE70] =	vst v62;
	v62 =	vld [tilespmem:s10+$0xA080]  }
0x1e8: {  	v6 =	vadd.f32 v47, v6;
	v47 =	vld [tilespmem:$0x1F830]  }
0x1e9: {  	v4 =	vadd.f32 v44, v4;
	v44 =	vld [tilespmem:$0x1F810]  }
0x1ea: {  	[tilespmem:$0x1FE80] =	vst v32;
	v32 =	vld [tilespmem:s10+$0xA100]  }
0x1eb: {  	[tilespmem:$0x1FEA0] =	vst v39;
	v39 =	vld [tilespmem:s10+$0xA200]  }
0x1ec: {  	v6 =	vadd.f32 v53, v6;
	v53 =	vld [tilespmem:$0x1F870]  }
0x1ed: {  	v4 =	vadd.f32 v50, v4;
	v50 =	vld [tilespmem:$0x1F850]  }
0x1ee: {  	v6 =	vadd.f32 v59, v6;
	v59 =	vld [tilespmem:$0x1F8B0]  }
0x1ef: {  	[tilespmem:$0x1FF10] =	vst v62;
	v62 =	vld [tilespmem:$0x1FA20]  }
0x1f0: {  	v4 =	vadd.f32 v56, v4;
	v56 =	vld [tilespmem:$0x1F890]  }
0x1f1: {  	v6 =	vadd.f32 v33, v6;
	v33 =	vld [tilespmem:$0x1F8F0]  }
0x1f2: {  	[tilespmem:$0x1FF20] =	vst v32;
	v32 =	vld [tilespmem:$0x1FA50]  }
0x1f3: {  	[tilespmem:$0x1FF40] =	vst v39;
	v39 =	vld [tilespmem:$0x1FAB0]  }
0x1f4: {  	v4 =	vadd.f32 v63, v4;
	v63 =	vld [tilespmem:$0x1F8D0]  }
0x1f5: {  	v6 =	vsub.f32 v6, v40;
	v40 =	vld [tilespmem:$0x1F930]  }
0x1f6: {  	v4 =	vsub.f32 v4, v37;
	v37 =	vld [tilespmem:$0x1F910]  }
0x1f7: {  	v5 =	vsub.f32 v5, v62;
	v62 =	vld [tilespmem:$0x1FB60]  }
0x1f8: {  	v6 =	vsub.f32 v6, v47;
	v47 =	vld [tilespmem:$0x1F970]  }
0x1f9: {  	v4 =	vsub.f32 v4, v44;
	v44 =	vld [tilespmem:$0x1F950]  }
0x1fa: {  	v6 =	vsub.f32 v6, v53;
	v53 =	vld [tilespmem:$0x1F9B0]  }
0x1fb: {  	v4 =	vsub.f32 v4, v50;
	v50 =	vld [tilespmem:$0x1F990]  }
0x1fc: {  	v6 =	vsub.f32 v6, v59;
	v59 =	vld [tilespmem:$0x1FA00]  }
0x1fd: {  	v4 =	vsub.f32 v4, v56;
	v56 =	vld [tilespmem:$0x1F9D0]  }
0x1fe: {  	v6 =	vsub.f32 v6, v33;
	v33 =	vld [tilespmem:$0x1FA60]  }
0x1ff: {  	v4 =	vsub.f32 v4, v63;
	v63 =	vld [tilespmem:$0x1FA30]  }
0x200: {  	v6 =	vsub.f32 v6, v40;
	v40 =	vld [tilespmem:$0x1FAC0]  }
0x201: {  	v4 =	vsub.f32 v4, v37;
	v37 =	vld [tilespmem:$0x1FA90]  }
0x202: {  	v7 =	vsub.f32 v7, v59;
	v59 =	vld [tilespmem:s10+$0xC000]  }
0x203: {  	v6 =	vsub.f32 v6, v47;
	v47 =	vld [tilespmem:$0x1FB10]  }
0x204: {  	v7 =	vsub.f32 v7, v17;
	v17 =	vld [tilespmem:s10+$0xB380]  }
0x205: {  	v0 =	vadd.f32 v0, v1;
	v4 =	vsub.f32 v4, v44;
	v44 =	vld [tilespmem:$0x1FAE0]  }
0x206: {  	v5 =	vsub.f32 v5, v33;
	v6 =	vsub.f32 v6, v53;
	v53 =	vld [tilespmem:s10+$0xB300]  }
0x207: {  	v33 =	vadd.f32 v3, v2;
	v4 =	vsub.f32 v4, v50;
	v50 =	vld [tilespmem:$0x1FB40]  }
0x208: {  	v5 =	vsub.f32 v5, v38;
	v38 =	vld [tilespmem:$0x1FB80]  }
0x209: {  	v0 =	vadd.f32 v33, v0;
	v33 =	vld [tilespmem:s11+$0x2280]  }
0x20a: {  	v7 =	vsub.f32 v7, v35;
	v6 =	vsub.f32 v6, v58;
	v58 =	vld [tilespmem:s10+$0xB280]  }
0x20b: {  	v4 =	vsub.f32 v4, v56;
	v56 =	vld [tilespmem:s10+$0xB100]  }
0x20c: {  	v7 =	vsub.f32 v7, v40;
	v40 =	vld [tilespmem:$0x1FBA0]  }
0x20d: {  	v6 =	vsub.f32 v6, v63;
	v63 =	vld [tilespmem:s10+$0xC100]  }
0x20e: {  	v5 =	vsub.f32 v5, v44;
	v44 =	vld [tilespmem:$0x1FBD0]  }
0x20f: {  	v4 =	vsub.f32 v4, v60;
	v60 =	vld [tilespmem:s11+$0x0]  }
0x210: {  	v7 =	vsub.f32 v7, v46;
	v46 =	vld [tilespmem:s11+$0x280]  }
0x211: {  	v5 =	vsub.f32 v5, v48;
	v48 =	vld [tilespmem:s11+$0x1000]  }
0x212: {  	v4 =	vsub.f32 v4, v32;
	v32 =	vld [tilespmem:$0x1FB70]  }
0x213: {  	[tilespmem:$0x1FFE0] =	vst v8;
	v6 =	vsub.f32 v6, v34;
	v7 =	vsub.f32 v7, v8;
	v8 =	vld [tilespmem:$0x1FBF0]  }
0x214: {  	v5 =	vsub.f32 v5, v51;
	v51 =	vld [tilespmem:s11+$0x100]  }
0x215: {  	v6 =	vsub.f32 v6, v39;
	v39 =	vld [tilespmem:$0x1FB90]  }
0x216: {  	v1 =	vadd.f32 v41, v40;
	v41 =	vld [tilespmem:s11+$0x1280]  }
0x217: {  	v40 =	vld [tilespmem:s11+$0x1300]  }
0x218: {  	v6 =	vsub.f32 v6, v45;
	v45 =	vld [tilespmem:s11+$0x1080]  }
0x219: {  	v4 =	vsub.f32 v4, v37;
	v1 =	vadd.f32 v36, v1;
	v36 =	vld [tilespmem:s11+$0x2100]  }
0x21a: {  	v46 =	vadd.f32 v46, v52;
	v52 =	vld [tilespmem:s11+$0x7080]  }
0x21b: {  	v4 =	vsub.f32 v4, v43;
	v43 =	vld [tilespmem:$0x1FBC0]  }
0x21c: {  	v6 =	vsub.f32 v6, v49;
	v49 =	vld [tilespmem:s11+$0x200]  }
0x21d: {  	v7 =	vsub.f32 v7, v32;
	v32 =	vld [tilespmem:s11+$0x2300]  }
0x21e: {  	v1 =	vadd.f32 v12, v1;
	v12 =	vld [tilespmem:$0x1FCF0]  }
0x21f: {  	v6 =	vsub.f32 v6, v62;
	v62 =	vld [tilespmem:$0x1FBE0]  }
0x220: {  	v4 =	vsub.f32 v4, v47;
	v47 =	vld [tilespmem:s11+$0x300]  }
0x221: {  	[tilespmem:$0x1FFD0] =	vst v0;
	v0 =	vadd.f32 v39, v38;
	v39 =	vld [tilespmem:s11+$0x1380]  }
0x222: {  	v38 =	vld [tilespmem:s11+$0x2000]  }
0x223: {  	v1 =	vadd.f32 v16, v1;
	v16 =	vld [tilespmem:$0x1FD30]  }
0x224: {  	v0 =	vadd.f32 v11, v0;
	v11 =	vld [tilespmem:$0x1FCE0];
	v3 =	vadd.f32 v62, v8  }
0x225: {  	v2 =	vadd.f32 v44, v43;
	v1 =	vadd.f32 v21, v1;
	v21 =	vld [tilespmem:$0x1FC20]  }
0x226: {  	v0 =	vadd.f32 v10, v0;
	v10 =	vld [tilespmem:$0x1FCD0];
	v3 =	vadd.f32 v9, v3  }
0x227: {  	v2 =	vadd.f32 v42, v2;
	v1 =	vadd.f32 v25, v1;
	v25 =	vld [tilespmem:$0x1FC60]  }
0x228: {  	v62 =	vld [tilespmem:$0x1FCA0];
	v3 =	vadd.f32 v14, v3  }
0x229: {  	v8 =	vld [tilespmem:$0x1FCB0];
	v2 =	vadd.f32 v13, v2  }
0x22a: {  	v0 =	vadd.f32 v15, v0;
	v15 =	vld [tilespmem:$0x1FD20];
	v3 =	vadd.f32 v19, v3  }
0x22b: {  	v13 =	vld [tilespmem:$0x1FD00];
	v2 =	vadd.f32 v18, v2  }
0x22c: {  	v0 =	vadd.f32 v20, v0;
	v20 =	vld [tilespmem:$0x1FC10];
	v3 =	vadd.f32 v23, v3  }
0x22d: {  	v9 =	vld [tilespmem:$0x1FCC0];
	v2 =	vadd.f32 v22, v2  }
0x22e: {  	v0 =	vadd.f32 v24, v0;
	v22 =	vld [tilespmem:$0x1FC30];
	v3 =	vadd.f32 v27, v3  }
0x22f: {  	v2 =	vadd.f32 v26, v2;
	v23 =	vld [tilespmem:$0x1FC40]  }
0x230: {  	v24 =	vld [tilespmem:$0x1FC50];
	v0 =	vadd.f32 v28, v0;
	v3 =	vadd.f32 v31, v3  }
0x231: {  	v1 =	vadd.f32 v29, v1;
	v2 =	vadd.f32 v30, v2;
	v27 =	vld [tilespmem:$0x1FC80]  }
0x232: {  	v0 =	vadd.f32 v20, v0;
	v3 =	vadd.f32 v61, v3;
	v61 =	vld [tilespmem:$0x1FC90]  }
0x233: {  	v1 =	vadd.f32 v21, v1;
	v26 =	vld [tilespmem:$0x1FC70];
	v2 =	vadd.f32 v22, v2  }
0x234: {  	v18 =	vld [tilespmem:$0x1FD40];
	v0 =	vadd.f32 v23, v0  }
0x235: {  	v14 =	vld [tilespmem:$0x1FD10];
	v1 =	vadd.f32 v24, v1;
	v2 =	vadd.f32 v25, v2  }
0x236: {  	v19 =	vld [tilespmem:$0x1FD50];
	v0 =	vsub.f32 v0, v27  }
0x237: {  	v20 =	vld [tilespmem:$0x1FD60];
	v2 =	vsub.f32 v2, v62;
	v1 =	vsub.f32 v1, v61  }
0x238: {  	v62 =	vld [tilespmem:$0x1FD80];
	v3 =	vadd.f32 v26, v3;
	v0 =	vsub.f32 v0, v9  }
0x239: {  	v9 =	vld [tilespmem:$0x1FDA0];
	v1 =	vsub.f32 v1, v10  }
0x23a: {  	v3 =	vsub.f32 v3, v8;
	v8 =	vld [tilespmem:$0x1FD90];
	v0 =	vsub.f32 v0, v13  }
0x23b: {  	v2 =	vsub.f32 v2, v11;
	v61 =	vld [tilespmem:$0x1FD70];
	v1 =	vsub.f32 v1, v14  }
0x23c: {  	v3 =	vsub.f32 v3, v12;
	v12 =	vld [tilespmem:$0x1FDD0];
	v0 =	vsub.f32 v0, v18  }
0x23d: {  	v2 =	vsub.f32 v2, v15;
	v10 =	vld [tilespmem:$0x1FDB0];
	v1 =	vsub.f32 v1, v19  }
0x23e: {  	v3 =	vsub.f32 v3, v16;
	v0 =	vsub.f32 v0, v62;
	v62 =	vld [tilespmem:$0x1FE10]  }
0x23f: {  	v2 =	vsub.f32 v2, v20;
	v14 =	vld [tilespmem:$0x1FDF0];
	v1 =	vsub.f32 v1, v8  }
0x240: {  	v11 =	vld [tilespmem:$0x1FDC0];
	v3 =	vsub.f32 v3, v61  }
0x241: {  	v2 =	vsub.f32 v2, v9;
	v9 =	vld [tilespmem:$0x1FE30];
	v1 =	vsub.f32 v1, v12  }
0x242: {  	v15 =	vld [tilespmem:$0x1FE00];
	v3 =	vsub.f32 v3, v10  }
0x243: {  	v1 =	vsub.f32 v1, v62;
	v62 =	vld [tilespmem:$0x1FE70]  }
0x244: {  	v13 =	vld [tilespmem:$0x1FDE0];
	v3 =	vsub.f32 v3, v14  }
0x245: {  	v10 =	vld [tilespmem:$0x1FE40]  }
0x246: {  	v0 =	vsub.f32 v0, v11;
	v8 =	vld [tilespmem:$0x1FE20];
	v3 =	vsub.f32 v3, v9  }
0x247: {  	v4 =	vsub.f32 v4, v50;
	v50 =	vld [tilespmem:s11+$0x180]  }
0x248: {  	v0 =	vsub.f32 v0, v15;
	v3 =	vsub.f32 v3, v62;
	v62 =	vld [tilespmem:$0x1FEB0]  }
0x249: {  	v2 =	vsub.f32 v2, v13;
	v12 =	vld [tilespmem:$0x1FE60]  }
0x24a: {  	v0 =	vsub.f32 v0, v10;
	v10 =	vld [tilespmem:$0x1FEA0]  }
0x24b: {  	v2 =	vsub.f32 v2, v8;
	v8 =	vld [tilespmem:$0x1FE80]  }
0x24c: {  	v45 =	vadd.f32 v45, v46;
	v46 =	vld [tilespmem:s11+$0x7180]  }
0x24d: {  	v3 =	vsub.f32 v3, v62;
	v62 =	vld [tilespmem:$0x1FEE0]  }
0x24e: {  	v11 =	vld [tilespmem:$0x1FE50];
	v2 =	vsub.f32 v2, v12  }
0x24f: {  	v9 =	vld [tilespmem:$0x1FE90]  }
0x250: {  	v2 =	vsub.f32 v2, v10;
	v0 =	vsub.f32 v0, v8;
	v8 =	vld [tilespmem:$0x1FEC0]  }
0x251: {  	v44 =	vld [tilespmem:s11+$0x1100]  }
0x252: {  	v2 =	vsub.f32 v2, v62;
	v62 =	vld [tilespmem:$0x1FF00]  }
0x253: {  	v43 =	vld [tilespmem:s11+$0x1180];
	v1 =	vsub.f32 v1, v11  }
0x254: {  	v35 =	vadd.f32 v7, v6;
	v7 =	vld [tilespmem:s11+$0x5380]  }
0x255: {  	v1 =	vsub.f32 v1, v9;
	v9 =	vld [tilespmem:$0x1FED0];
	v0 =	vsub.f32 v0, v8  }
0x256: {  	v6 =	vld [tilespmem:s11+$0x6000]  }
0x257: {  	v0 =	vsub.f32 v0, v62;
	v62 =	vld [tilespmem:$0x1FF10]  }
0x258: {  	v34 =	vadd.f32 v5, v4;
	v5 =	vld [tilespmem:s11+$0x6080]  }
0x259: {  	v4 =	vld [tilespmem:s11+$0x6100]  }
0x25a: {  	v41 =	vadd.f32 v41, v45;
	v45 =	vld [tilespmem:s11+$0x7280];
	v1 =	vsub.f32 v1, v9  }
0x25b: {  	v49 =	vadd.f32 v49, v60;
	v60 =	vld [tilespmem:s11+$0x9200]  }
0x25c: {  	v1 =	vsub.f32 v1, v62;
	v62 =	vld [tilespmem:$0x1FF20]  }
0x25d: {  	v42 =	vld [tilespmem:s11+$0x1200]  }
0x25e: {  	v47 =	vadd.f32 v47, v51;
	v51 =	vld [tilespmem:s11+$0x7100]  }
0x25f: {  	v8 =	vld [tilespmem:$0x1FEF0]  }
0x260: {  	v37 =	vadd.f32 v35, v34;
	v35 =	vld [tilespmem:s11+$0x2180]  }
0x261: {  	v2 =	vsub.f32 v2, v62;
	v62 =	vld [tilespmem:$0x1FF30]  }
0x262: {  	v34 =	vld [tilespmem:s11+$0x2200]  }
0x263: {  	v48 =	vadd.f32 v48, v49;
	v49 =	vld [tilespmem:s11+$0x9080]  }
0x264: {  	v29 =	vld [tilespmem:s11+$0x3080];
	v3 =	vsub.f32 v3, v8  }
0x265: {  	[tilespmem:$0x1FFF0] =	vst v37;
	v37 =	vld [tilespmem:s11+$0x2080]  }
0x266: {  	v3 =	vsub.f32 v3, v62;
	v62 =	vld [tilespmem:$0x1FF40]  }
0x267: {  	v44 =	vadd.f32 v44, v47;
	v47 =	vld [tilespmem:s11+$0x7200]  }
0x268: {  	v21 =	vld [tilespmem:s11+$0x4080]  }
0x269: {  	v40 =	vadd.f32 v40, v44;
	v44 =	vld [tilespmem:s11+$0x8280]  }
0x26a: {  	v42 =	vadd.f32 v42, v48;
	v28 =	vld [tilespmem:s11+$0x3100]  }
0x26b: {  	v0 =	vsub.f32 v0, v62;
	v62 =	vld [tilespmem:$0x1FF50]  }
0x26c: {  	v38 =	vadd.f32 v38, v42;
	v42 =	vld [tilespmem:s11+$0x8080]  }
0x26d: {  	v36 =	vadd.f32 v36, v40;
	v40 =	vld [tilespmem:s11+$0xA280]  }
0x26e: {  	v37 =	vadd.f32 v37, v41;
	v41 =	vld [tilespmem:s11+$0x7380]  }
0x26f: {  	v32 =	vadd.f32 v32, v36;
	v36 =	vld [tilespmem:s11+$0xA180]  }
0x270: {  	v1 =	vsub.f32 v1, v62;
	v62 =	vld [tilespmem:$0x1FF60]  }
0x271: {  	v34 =	vadd.f32 v34, v38;
	v38 =	vld [tilespmem:s11+$0xA200]  }
0x272: {  	v30 =	vld [tilespmem:s11+$0x3000]  }
0x273: {  	v24 =	vld [tilespmem:s11+$0x3300]  }
0x274: {  	v33 =	vadd.f32 v33, v37;
	v22 =	vld [tilespmem:s11+$0x4000]  }
0x275: {  	v2 =	vsub.f32 v2, v62;
	v62 =	vld [tilespmem:$0x1FF70]  }
0x276: {  	v29 =	vadd.f32 v29, v33;
	v33 =	vld [tilespmem:s11+$0x8180]  }
0x277: {  	v28 =	vadd.f32 v28, v32;
	v32 =	vld [tilespmem:s11+$0xA080]  }
0x278: {  	v31 =	vld [tilespmem:s11+$0x2380]  }
0x279: {  	v25 =	vld [tilespmem:s11+$0x3280]  }
0x27a: {  	v3 =	vsub.f32 v3, v62;
	v62 =	vld [tilespmem:$0x1FF80]  }
0x27b: {  	v23 =	vld [tilespmem:s11+$0x3380]  }
0x27c: {  	v24 =	vadd.f32 v24, v28;
	v28 =	vld [tilespmem:s11+$0x9380]  }
0x27d: {  	v30 =	vadd.f32 v30, v34;
	v34 =	vld [tilespmem:s11+$0xA100]  }
0x27e: {  	v27 =	vld [tilespmem:s11+$0x3180];
	v25 =	vadd.f32 v25, v29;
	v2 =	vsub.f32 v2, v56  }
0x27f: {  	v26 =	vld [tilespmem:s11+$0x3200];
	v3 =	vsub.f32 v3, v55;
	v0 =	vsub.f32 v0, v62  }
0x280: {  	v21 =	vadd.f32 v21, v25;
	v25 =	vld [tilespmem:s11+$0x8380];
	v2 =	vsub.f32 v2, v53  }
0x281: {  	v53 =	vmov v17;
	v0 =	vsub.f32 v0, v57;
	v57 =	vsub.f32 v3, v17;
	v17 =	vld [tilespmem:$0x1FFB0]  }
0x282: {  	v20 =	vld [tilespmem:s11+$0x4100]  }
0x283: {  	v18 =	vld [tilespmem:s11+$0x4200]  }
0x284: {  	v26 =	vadd.f32 v26, v30;
	v30 =	vld [tilespmem:s11+$0xA000]  }
0x285: {  	v16 =	vld [tilespmem:s11+$0x4300]  }
0x286: {  	v61 =	vld [tilespmem:s11+$0x4280];
	v50 =	vadd.f32 v17, v50  }
0x287: {  	v19 =	vld [tilespmem:s11+$0x4180]  }
0x288: {  	v13 =	vld [tilespmem:s11+$0x5080];
	v43 =	vadd.f32 v43, v50  }
0x289: {  	v15 =	vld [tilespmem:s11+$0x4380]  }
0x28a: {  	v9 =	vld [tilespmem:s11+$0x5280];
	v39 =	vadd.f32 v39, v43  }
0x28b: {  	v14 =	vld [tilespmem:s11+$0x5000];
	v48 =	vadd.f32 v61, v21  }
0x28c: {  	v61 =	vld [tilespmem:s11+$0x9280];
	v35 =	vadd.f32 v35, v39  }
0x28d: {  	v13 =	vsub.f32 v48, v13;
	v48 =	vld [tilespmem:s11+$0xB280]  }
0x28e: {  	v56 =	vld [tilespmem:s11+$0x6280];
	v31 =	vadd.f32 v31, v35  }
0x28f: {  	v22 =	vadd.f32 v22, v26;
	v12 =	vld [tilespmem:s11+$0x5100];
	v9 =	vsub.f32 v13, v9  }
0x290: {  	v20 =	vadd.f32 v20, v24;
	v62 =	vld [tilespmem:$0x1FF90];
	v27 =	vadd.f32 v27, v31  }
0x291: {  	v18 =	vadd.f32 v18, v22;
	v11 =	vld [tilespmem:s11+$0x5180];
	v5 =	vsub.f32 v9, v5  }
0x292: {  	v16 =	vadd.f32 v16, v20;
	v10 =	vld [tilespmem:s11+$0x5200];
	v23 =	vadd.f32 v23, v27  }
0x293: {  	v14 =	vsub.f32 v18, v14;
	v8 =	vld [tilespmem:s11+$0x5300];
	v5 =	vsub.f32 v5, v56  }
0x294: {  	v0 =	vsub.f32 v0, v59;
	v59 =	vld [tilespmem:$0x1FFA0];
	v19 =	vadd.f32 v19, v23  }
0x295: {  	v12 =	vsub.f32 v16, v12;
	v55 =	vld [tilespmem:s11+$0x6200];
	v1 =	vsub.f32 v1, v62  }
0x296: {  	v5 =	vsub.f32 v5, v52;
	v52 =	vld [tilespmem:s11+$0xC080];
	v15 =	vadd.f32 v15, v19  }
0x297: {  	v10 =	vsub.f32 v14, v10;
	v62 =	vld [tilespmem:s11+$0x6180];
	v1 =	vsub.f32 v1, v58  }
0x298: {  	v8 =	vsub.f32 v12, v8;
	v58 =	vld [tilespmem:s11+$0x6300];
	v11 =	vsub.f32 v15, v11  }
0x299: {  	v3 =	vsub.f32 v2, v63;
	v1 =	vsub.f32 v1, v59;
	v59 =	vld [tilespmem:s11+$0x6380]  }
0x29a: {  	v2 =	vsub.f32 v57, v54;
	v54 =	vld [tilespmem:s11+$0x7000];
	v7 =	vsub.f32 v11, v7  }
0x29b: {  	v6 =	vsub.f32 v10, v6;
	v5 =	vsub.f32 v5, v45;
	v45 =	vld [tilespmem:s11+$0xB100]  }
0x29c: {  	v4 =	vsub.f32 v8, v4;
	v57 =	vld [tilespmem:s11+$0x9180];
	v7 =	vsub.f32 v7, v62  }
0x29d: {  	v6 =	vsub.f32 v6, v55;
	v43 =	vld [tilespmem:s11+$0x7300]  }
0x29e: {  	v4 =	vsub.f32 v4, v58;
	v39 =	vld [tilespmem:s11+$0x8000];
	v7 =	vsub.f32 v7, v59  }
0x29f: {  	v5 =	vsub.f32 v5, v42;
	v6 =	vsub.f32 v6, v54;
	v35 =	vld [tilespmem:s11+$0x8100]  }
0x2a0: {  	v4 =	vsub.f32 v4, v51;
	v31 =	vld [tilespmem:s11+$0x8200];
	v7 =	vsub.f32 v7, v46  }
0x2a1: {  	v5 =	vsub.f32 v5, v44;
	v6 =	vsub.f32 v6, v47;
	v27 =	vld [tilespmem:s11+$0x8300]  }
0x2a2: {  	v4 =	vsub.f32 v4, v43;
	v23 =	vld [tilespmem:s11+$0x9000];
	v7 =	vsub.f32 v7, v41  }
0x2a3: {  	v56 =	vadd.f32 v2, v3;
	v50 =	vld [tilespmem:s11+$0x9100];
	v6 =	vsub.f32 v6, v39  }
0x2a4: {  	v63 =	vld [tilespmem:s11+$0x9300];
	v4 =	vsub.f32 v4, v35;
	v7 =	vsub.f32 v7, v33  }
0x2a5: {  	v55 =	vld [tilespmem:s11+$0xC180];
	v5 =	vsub.f32 v5, v49;
	v6 =	vsub.f32 v6, v31  }
0x2a6: {  	v42 =	vld [tilespmem:s11+$0xA380];
	v4 =	vsub.f32 v4, v27;
	v7 =	vsub.f32 v7, v25  }
0x2a7: {  	v44 =	vld [tilespmem:s11+$0xB080];
	v5 =	vsub.f32 v5, v61;
	v6 =	vsub.f32 v6, v23  }
0x2a8: {  	v49 =	vld [tilespmem:s11+$0xB300];
	v4 =	vsub.f32 v4, v50;
	v7 =	vsub.f32 v7, v57  }
0x2a9: {  	v5 =	vsub.f32 v5, v32;
	v6 =	vsub.f32 v6, v60;
	v41 =	vld [tilespmem:s11+$0xA300]  }
0x2aa: {  	v43 =	vld [tilespmem:s11+$0xB000];
	v4 =	vsub.f32 v4, v63;
	v7 =	vsub.f32 v7, v28  }
0x2ab: {  	v0 =	vadd.f32 v1, v0;
	v6 =	vsub.f32 v6, v30;
	v46 =	vld [tilespmem:s11+$0xB180]  }
0x2ac: {  	v47 =	vld [tilespmem:s11+$0xB200];
	v4 =	vsub.f32 v4, v34;
	v7 =	vsub.f32 v7, v36  }
0x2ad: {  	v5 =	vsub.f32 v5, v40;
	v50 =	vld [tilespmem:s11+$0xB380];
	v6 =	vsub.f32 v6, v38  }
0x2ae: {  	v51 =	vld [tilespmem:s11+$0xC000];
	v4 =	vsub.f32 v4, v41;
	v7 =	vsub.f32 v7, v42  }
0x2af: {  	v54 =	vld [tilespmem:s11+$0xC100];
	v5 =	vsub.f32 v5, v44;
	v6 =	vsub.f32 v6, v43  }
0x2b0: {  	v4 =	vsub.f32 v4, v45;
	v7 =	vsub.f32 v7, v46  }
0x2b1: {  	v61 =	vld [tilespmem:$0x1FFE0];
	v5 =	vsub.f32 v5, v48;
	v6 =	vsub.f32 v6, v47  }
0x2b2: {  	v60 =	vld [tilespmem:$0x1FFD0];
	v4 =	vsub.f32 v4, v49;
	v7 =	vsub.f32 v7, v50  }
0x2b3: {  	v5 =	vsub.f32 v5, v52;
	v62 =	vld [tilespmem:$0x1FFF0];
	v6 =	vsub.f32 v6, v51  }
0x2b4: {  	v59 =	vld [tilespmem:$0x1FFC0];
	v4 =	vsub.f32 v4, v54;
	v7 =	vsub.f32 v7, v55  }
0x2b5: {  	v0 =	vadd.f32 v56, v0  }
0x2b6: {  	v57 =	vadd.f32 v5, v6;
	v58 =	vadd.f32 v7, v4  }
0x2b7: {  	p1 =	por p0, p0;
	v0 =	vsub.f32 v53, v0  }
.Ltmp0:
0x2b8: {  	v1 =	vsub.f32 v61, v62;
	v2 =	vadd.f32 v58, v57;
	(pc) =	sbr.rel @p1 .LBB2_3-.Ltmp0, $4  }
0x2b9: {  	[tilespmem:s10+$0xB380] =	vst v0;
	v4 =	vsub.f32 v59, v60  }
0x2ba: {  	[tilespmem:s9+$0xB380] =	vst v1;
	v63 =	vsub.f32 v50, v2  }
0x2bb: {  	[tilespmem:s17+$0xB380] =	vst v4  }
0x2bc: {  	p0 =	por $0x0, $0x0;
	s8 =	simm.s32 $0x40;
	[tilespmem:s11+$0xB380] =	vst v63  }
0x2bd: {  	s8 =	sshll.u32 s6, $0xA  }
0x2be: {  	s7 =	sadd.s32 s7, s5;
	s8 =	sand.u32 $0x3FFFFC00, s8  }
0x2bf: {  	[hbm4b:s7+s2] =	stream.linear.scatter [tilespmem:s8], [sflag:$0x2], $0x400, $0x38;
	[tilespmem:$0xD000] =	vst v63  }
0x2c0: {  	s10 =	sadd.s32 $0x4000, s7;
	s9 =	sadd.s32 $0x1000, s8  }
0x2c1: {  	[hbm4b:s10+s2] =	stream.linear.scatter [tilespmem:s9], [sflag:$0x2], $0x400, $0x38;
	[tilespmem:$0xD000] =	vst v63  }
0x2c2: {  	s15 =	sadd.s32 $0x8000, s7;
	s14 =	sadd.s32 $0x2000, s8  }
0x2c3: {  	[hbm4b:s15+s2] =	stream.linear.scatter [tilespmem:s14], [sflag:$0x2], $0x400, $0x38;
	[tilespmem:$0xD000] =	vst v63  }
0x2c4: {  	s17 =	sadd.s32 $0xC000, s7;
	s16 =	sadd.s32 $0x3000, s8  }
0x2c5: {  	[hbm4b:s17+s2] =	stream.linear.scatter [tilespmem:s16], [sflag:$0x2], $0x400, $0x38;
	[tilespmem:$0xD000] =	vst v63  }
0x2c6: {  	s11 =	sadd.s32 $0x10000, s7;
	s10 =	sadd.s32 $0x4000, s8  }
0x2c7: {  	[hbm4b:s11+s2] =	stream.linear.scatter [tilespmem:s10], [sflag:$0x2], $0x400, $0x38;
	[tilespmem:$0xD000] =	vst v63  }
0x2c8: {  	s13 =	sadd.s32 $0x14000, s7;
	s12 =	sadd.s32 $0x5000, s8  }
0x2c9: {  	[hbm4b:s13+s2] =	stream.linear.scatter [tilespmem:s12], [sflag:$0x2], $0x400, $0x38;
	[tilespmem:$0xD000] =	vst v63  }
0x2ca: {  	s14 =	sadd.s32 $0x6000, s8;
	s15 =	sadd.s32 $0x18000, s7  }
0x2cb: {  	[hbm4b:s15+s2] =	stream.linear.scatter [tilespmem:s14], [sflag:$0x2], $0x400, $0x38;
	[tilespmem:$0xD000] =	vst v63  }
0x2cc: {  	s16 =	sadd.s32 $0x7000, s8;
	s17 =	sadd.s32 $0x1C000, s7  }
0x2cd: {  	[hbm4b:s17+s2] =	stream.linear.scatter [tilespmem:s16], [sflag:$0x2], $0x400, $0x38;
	[tilespmem:$0xD000] =	vst v63  }
0x2ce: {  	s10 =	sadd.s32 $0x8000, s8;
	s11 =	sadd.s32 $0x20000, s7  }
0x2cf: {  	[hbm4b:s11+s2] =	stream.linear.scatter [tilespmem:s10], [sflag:$0x2], $0x400, $0x38;
	[tilespmem:$0xD000] =	vst v63  }
0x2d0: {  	s12 =	sadd.s32 $0x9000, s8;
	s13 =	sadd.s32 $0x24000, s7  }
0x2d1: {  	[hbm4b:s13+s2] =	stream.linear.scatter [tilespmem:s12], [sflag:$0x2], $0x400, $0x38;
	[tilespmem:$0xD000] =	vst v63  }
0x2d2: {  	s14 =	sadd.s32 $0xA000, s8;
	s15 =	sadd.s32 $0x28000, s7  }
0x2d3: {  	[hbm4b:s15+s2] =	stream.linear.scatter [tilespmem:s14], [sflag:$0x2], $0x400, $0x38;
	[tilespmem:$0xD000] =	vst v63  }
0x2d4: {  	s16 =	sadd.s32 $0xB000, s8;
	s17 =	sadd.s32 $0x2C000, s7  }
0x2d5: {  	[hbm4b:s17+s2] =	stream.linear.scatter [tilespmem:s16], [sflag:$0x2], $0x400, $0x38;
	[tilespmem:$0xD000] =	vst v63  }
0x2d6: {  	p0 =	sgt.u32 s6, $0x1;
	s8 =	sadd.s32 $0xC000, s8;
	s7 =	sadd.s32 $0x30000, s7  }
0x2d7: {  	[hbm4b:s7+s2] =	stream.linear.scatter [tilespmem:s8], [sflag:$0x2], $0x400, $0x38;
	[tilespmem:$0xD000] =	vst v63  }
0x2d8: {  	s7 =	sor.u32 @!p0 $0x2, s6  }
0x2d9: {  	s8 =	sshll.u32 @!p0 s7, $0x7;
	s7 =	sshll.u32 @!p0 s7, $0xA  }
0x2da: {  	s9 =	simm.s32 @!p0 $0x0;
	s8 =	sadd.s32 @!p0 s8, s3;
	s7 =	sand.u32 @!p0 $0x3FFFFC00, s7  }
0x2db: {  	[tilespmem:s7], [sflag:$0x1] =	stream.linear.gather @!p0 [hbm4b:s8+s9], $0x400, $0x38;
	[tilespmem:$0xD000] =	vst v63  }
0x2dc: {  	s10 =	sadd.s32 @!p0 $0x4000, s8;
	s11 =	sadd.s32 @!p0 $0x1000, s7  }
0x2dd: {  	[tilespmem:s11], [sflag:$0x1] =	stream.linear.gather @!p0 [hbm4b:s10+s9], $0x400, $0x38;
	[tilespmem:$0xD000] =	vst v63  }
0x2de: {  	s10 =	sadd.s32 @!p0 $0x8000, s8;
	s11 =	sadd.s32 @!p0 $0x2000, s7  }
0x2df: {  	[tilespmem:s11], [sflag:$0x1] =	stream.linear.gather @!p0 [hbm4b:s10+s9], $0x400, $0x38;
	[tilespmem:$0xD000] =	vst v63  }
0x2e0: {  	s10 =	sadd.s32 @!p0 $0xC000, s8;
	s11 =	sadd.s32 @!p0 $0x3000, s7  }
0x2e1: {  	[tilespmem:s11], [sflag:$0x1] =	stream.linear.gather @!p0 [hbm4b:s10+s9], $0x400, $0x38;
	[tilespmem:$0xD000] =	vst v63  }
0x2e2: {  	s10 =	sadd.s32 @!p0 $0x10000, s8;
	s11 =	sadd.s32 @!p0 $0x4000, s7  }
0x2e3: {  	[tilespmem:s11], [sflag:$0x1] =	stream.linear.gather @!p0 [hbm4b:s10+s9], $0x400, $0x38;
	[tilespmem:$0xD000] =	vst v63  }
0x2e4: {  	s10 =	sadd.s32 @!p0 $0x14000, s8;
	s11 =	sadd.s32 @!p0 $0x5000, s7  }
0x2e5: {  	[tilespmem:s11], [sflag:$0x1] =	stream.linear.gather @!p0 [hbm4b:s10+s9], $0x400, $0x38;
	[tilespmem:$0xD000] =	vst v63  }
0x2e6: {  	s10 =	sadd.s32 @!p0 $0x18000, s8;
	s11 =	sadd.s32 @!p0 $0x6000, s7  }
0x2e7: {  	[tilespmem:s11], [sflag:$0x1] =	stream.linear.gather @!p0 [hbm4b:s10+s9], $0x400, $0x38;
	[tilespmem:$0xD000] =	vst v63  }
0x2e8: {  	s10 =	sadd.s32 @!p0 $0x1C000, s8;
	s11 =	sadd.s32 @!p0 $0x7000, s7  }
0x2e9: {  	[tilespmem:s11], [sflag:$0x1] =	stream.linear.gather @!p0 [hbm4b:s10+s9], $0x400, $0x38;
	[tilespmem:$0xD000] =	vst v63  }
0x2ea: {  	s10 =	sadd.s32 @!p0 $0x20000, s8;
	s11 =	sadd.s32 @!p0 $0x8000, s7  }
0x2eb: {  	[tilespmem:s11], [sflag:$0x1] =	stream.linear.gather @!p0 [hbm4b:s10+s9], $0x400, $0x38;
	[tilespmem:$0xD000] =	vst v63  }
0x2ec: {  	s10 =	sadd.s32 @!p0 $0x24000, s8;
	s11 =	sadd.s32 @!p0 $0x9000, s7  }
0x2ed: {  	[tilespmem:s11], [sflag:$0x1] =	stream.linear.gather @!p0 [hbm4b:s10+s9], $0x400, $0x38;
	[tilespmem:$0xD000] =	vst v63  }
0x2ee: {  	s10 =	sadd.s32 @!p0 $0x28000, s8;
	s11 =	sadd.s32 @!p0 $0xA000, s7  }
0x2ef: {  	[tilespmem:s11], [sflag:$0x1] =	stream.linear.gather @!p0 [hbm4b:s10+s9], $0x400, $0x38;
	[tilespmem:$0xD000] =	vst v63  }
0x2f0: {  	s10 =	sadd.s32 @!p0 $0x2C000, s8;
	s11 =	sadd.s32 @!p0 $0xB000, s7  }
0x2f1: {  	[tilespmem:s11], [sflag:$0x1] =	stream.linear.gather @!p0 [hbm4b:s10+s9], $0x400, $0x38;
	[tilespmem:$0xD000] =	vst v63  }
0x2f2: {  	s6 =	sadd.s32 $0x1, s6;
	s8 =	sadd.s32 @!p0 $0x30000, s8;
	s7 =	sadd.s32 @!p0 $0xC000, s7  }
0x2f3: {  	[tilespmem:s7], [sflag:$0x1] =	stream.linear.gather @!p0 [hbm4b:s8+s9], $0x400, $0x38;
	[tilespmem:$0xD000] =	vst v63  }
0x2f4: {  	p0 =	sne.s32 s6, $0x4  }
.Ltmp1:
0x2f5: {  	_ = 	snop;
	(pc) =	sbr.rel @p0 .LBB2_2-.Ltmp1, $1  }
0x2f6: {  	_ =	sdelay $0x3  }
0x2f7: {  	_ =	swait.ge [sflag:s0], $0x3400  }
0x2f8: {  	[sflag:s0] =	ssyncset.done $0x0  }
0x2f9: {  	[sflag:s0] =	ssyncadd.s32 $0xFFFFCC00  }
0x2fa: {  	_ =	swait.ge [sflag:s0], $0x3400  }
0x2fb: {  	[sflag:s0] =	ssyncset.done $0x0  }
0x2fc: {  	[sflag:s0] =	ssyncadd.s32 $0xFFFFCC00  }
0x2fd: {  	_ =	swait.ge [sflag:s0], $0x3400  }
0x2fe: {  	[sflag:s0] =	ssyncset.done $0x0  }
0x2ff: {  	[sflag:s0] =	ssyncadd.s32 $0xFFFFCC00  }
0x300: {  	_ =	swait.ge [sflag:s0], $0x3400  }
0x301: {  	s4 =	sadd.s32 $0x1, s4;
	s6 =	rddreg [dreg:$0x4]  }
0x302: {  	p0 =	sne.s32 s4, s6  }
.Ltmp2:
0x303: {  	_ = 	snop;
	(pc) =	sbr.rel @p0 .LBB2_1-.Ltmp2, $3  }
0x304: {  	_ =	sdelay $0x1  }
0x305: {  	[sflag:s0] =	ssyncset.done $0x0  }
0x306: {  	[sflag:s0] =	ssyncadd.s32 $0xFFFFCC00  }
0x307: {  	_ =	sfence.sel $0x180000  }
0x308: {  	[bflag:$0x0] =	sbarrier.arrive $0xFFFF  }
0x309: {  	_ =	strace $0x90000047  }
0x30a: {  	s0 =	stileid.u32;
	[bflag:$0x2] =	sbarrier.arrive $0xFFFF  }
0x30b: {  	p0 =	sne.s32 s0, $0x0;
	s0 =	rddreg [dreg:$0x2]  }
0x30c: {  	s0 =	sadd.s32 @!p0 $0x100000, s0  }
0x30d: {  	[sflag:s0] =	ssyncadd.tile.s32 @!p0 $0x1;
	_ =	shalt  }
.Lfunc_end2:
_tile_overlayer_lowered:
.L_overlay_start_2:
0x30e: {  	(tag) =	ssettag $0x2  }
0x30f: {  	s0 =	rddreg [dreg:$0x0];
	s2 =	stileid.u32  }
0x310: {  	s1 =	rddreg [dreg:$0x1];
	p0 =	sne.s32 s2, $0x0  }
0x311: {  	s3 =	rddreg [dreg:$0x2];
	[bflag:$0x3] =	sbarrier.arrive $0xFFFF;
	s2 =	simm.s32 @!p0 $0x1C03  }
0x312: {  	[timem:s3], [sflag:s2] =	dma.local @!p0 [hbm:s0], s1  }
0x313: {  	s0 =	simm.s32 @!p0 $0x3  }
0x314: {  	_ =	swait.ge @!p0 [sflag:s0], s1  }
0x315: {  	s1 =	ssub.s32 @!p0 $0x0, s1;
	[sflag:s0] =	ssyncset.done @!p0 $0x0  }
0x316: {  	[sflag:s0] =	ssyncadd.s32 @!p0 s1  }
0x317: {  	[bflag:$0x3] =	sbarrier.arrive $0xFFFF  }
0x318: {  	_ =	shalt  }

</sc_bundles>
